<compile_context>
chip_gen: v7x
topology: tpu7x:2x2x1
jax: 0.10.2.dev20260603
libtpu: 0.0.44.dev20260713+nightly
codegen_flags: <defaults>
</compile_context>

<pallas_src>
import functools

import jax
import jax.numpy as jnp
from jax import lax
from jax.experimental import pallas as pl
from jax.experimental.pallas import tpu as pltpu
from jax.experimental.pallas import tpu_sc as plsc

D_MODEL = 256
MAX_REL = 128
LENGTH = 512
V_ROWS = 2 * MAX_REL + 1
V_PAD = 264
PAD = LENGTH - MAX_REL - 1
C_ROWS = 1016
STAGE_ROW = 384
HALF = 128
NUM_CORES = 2
NUM_SUBCORES = 16
M_PER_TILE = 32
LANES = 16


def _sc_body(table_hbm, out_hbm, buf_v, sem):
    s = lax.axis_index("s")
    c = lax.axis_index("c")
    w = s * NUM_CORES + c
    r = lax.div(w, 4)
    rest = lax.rem(w, 4)
    d0 = lax.rem(rest, 2) * HALF
    m0 = lax.div(rest, 2) * M_PER_TILE

    pltpu.sync_copy(
        table_hbm.at[pl.ds(0, V_PAD), pl.ds(pl.multiple_of(d0, HALF), HALF)],
        buf_v.at[pl.ds(STAGE_ROW, V_PAD)],
    )

    lo = PAD - 7 + r
    hi = lo + V_ROWS

    def _move(k, carry):
        src = k + 8 - r
        for h in range(HALF // LANES):
            buf_v[k, pl.ds(h * LANES, LANES)] = (
                buf_v[src, pl.ds(h * LANES, LANES)]
            )
        return carry

    lax.fori_loop(lo, hi, _move, 0)

    bot = [buf_v[lo, pl.ds(h * LANES, LANES)] for h in range(HALF // LANES)]
    top = [
        buf_v[hi - 1, pl.ds(h * LANES, LANES)] for h in range(HALF // LANES)
    ]

    def _fill_bot(k, carry):
        for h in range(HALF // LANES):
            buf_v[k, pl.ds(h * LANES, LANES)] = bot[h]
        return carry

    def _fill_top(k, carry):
        for h in range(HALF // LANES):
            buf_v[k, pl.ds(h * LANES, LANES)] = top[h]
        return carry

    lax.fori_loop(256 - 8 * m0, lo, _fill_bot, 0)
    lax.fori_loop(hi, C_ROWS - 8 * m0, _fill_top, 0)

    copies = []
    for jj in range(M_PER_TILE):
        m = m0 + jj
        i = r + 8 * m
        start = pl.multiple_of(504 - 8 * m, 8)
        copies.append(
            pltpu.async_copy(
                buf_v.at[pl.ds(start, LENGTH)],
                out_hbm.at[
                    i,
                    pl.ds(0, LENGTH),
                    pl.ds(pl.multiple_of(d0, HALF), HALF),
                ],
                sem,
            )
        )
    for cp in copies:
        cp.wait()


@jax.jit
def _rel_pos_gather(table):
    mesh = plsc.VectorSubcoreMesh(
        core_axis_name="c",
        subcore_axis_name="s",
        num_cores=NUM_CORES,
        num_subcores=NUM_SUBCORES,
    )
    run = functools.partial(
        pl.kernel,
        out_type=jax.ShapeDtypeStruct((LENGTH, LENGTH, D_MODEL), jnp.float32),
        mesh=mesh,
        scratch_types=[
            pltpu.VMEM((C_ROWS, HALF), jnp.float32),
            pltpu.SemaphoreType.DMA,
        ],
        compiler_params=pltpu.CompilerParams(use_tc_tiling_on_sc=True),
    )(_sc_body)
    padded = jnp.pad(table, ((0, V_PAD - V_ROWS), (0, 0)))
    return run(padded)


def kernel(relative_embeddings, length):
    del length
    return _rel_pos_gather(relative_embeddings)

# --- scband reference (transcript-rebuilt; emitter-appended) ---
"""Pipeline reference for scband-relative-positional-encoding-41729902248148 (READ-ONLY COPY).

The authoritative reference and input builder live on the scoring server;
editing this copy changes nothing except your own understanding.
"""

import jax, jax.numpy as jnp
import numpy as np

D_MODEL = 256
MAX_REL = 128
LENGTH = 512

def setup_inputs(seed: int = 0) -> dict:
    key = jax.random.key(seed)
    relative_embeddings = jax.random.normal(key, (2 * MAX_REL + 1, D_MODEL), dtype=jnp.float32)
    return {"relative_embeddings": relative_embeddings, "length": 512}

def reference(relative_embeddings, length):
    range_vec = jnp.arange(LENGTH) + length * 0
    relative_positions = range_vec[None, :] - range_vec[:, None]
    relative_positions = jnp.clip(relative_positions, -MAX_REL, MAX_REL)
    relative_positions = relative_positions + MAX_REL
    embeddings = jnp.take(relative_embeddings, relative_positions, axis=0)
    return embeddings

if __name__ == "__main__":
    import jax
    _d = setup_inputs()
    print(jax.jit(kernel)(*tuple(_d.values())))

</pallas_src>

<mosaic_0001>
#map = affine_map<(d0, d1) -> (0, 0)>
#map1 = affine_map<(d0, d1) -> (0, 0, 0)>
module attributes {stable_mosaic.version = 14 : i64} {
  func.func @_sc_body(%arg0: i32, %arg1: i32, %arg2: memref<264x256xf32, #tpu.memory_space<hbm>>, %arg3: memref<512x512x256xf32, #tpu.memory_space<hbm>>, %arg4: memref<1016x128xf32, #tpu.memory_space<vmem>>, %arg5: memref<!tpu.dma_semaphore, #tpu.memory_space<semaphore_mem>>) attributes {dimension_semantics = [#tpu.dimension_semantics<core_parallel>, #tpu.dimension_semantics<subcore_parallel>], iteration_bounds = array<i64: 2, 16>, scalar_prefetch = 0 : i64, scratch_operands = 2 : i64, tpu.core_type = #tpu.core_type<sc_vector_subcore>, window_params = [{transform_indices = #map}, {transform_indices = #map1}]} {
    %mul3A = arith.constant 2 : i32
    %mul3A_0 = arith.muli %arg1, %mul3A : i32
    %add3A = arith.addi %mul3A_0, %arg0 : i32
    %div3A = arith.constant 4 : i32
    %div3A_1 = arith.divsi %add3A, %div3A : i32
    %rem3A = arith.constant 4 : i32
    %rem3A_2 = arith.remsi %add3A, %rem3A : i32
    %rem3A_3 = arith.constant 2 : i32
    %rem3A_4 = arith.remsi %rem3A_2, %rem3A_3 : i32
    %mul3A_5 = arith.constant 128 : i32
    %mul3A_6 = arith.muli %rem3A_4, %mul3A_5 : i32
    %div3A_7 = arith.constant 2 : i32
    %div3A_8 = arith.divsi %rem3A_2, %div3A_7 : i32
    %mul3A_9 = arith.constant 32 : i32
    %mul3A_10 = arith.muli %div3A_8, %mul3A_9 : i32
    %multiple_of3A = tpu.assume_multiple %mul3A_6, 128 : i32
    "tpu.region"() ({
      %run_scoped3A = tpu.sem_alloc : memref<!tpu.dma_semaphore, #tpu.memory_space<semaphore_mem>>
      %dma_start3A_1117 = arith.constant 384 : i32
      %dma_start3A_1118 = arith.constant 0 : i32
      %dma_start3A_1119 = tpu.memref_slice %arg4[%dma_start3A_1117, %dma_start3A_1118] : memref<1016x128xf32, #tpu.memory_space<vmem>> -> memref<264x128xf32, #tpu.memory_space<vmem>>
      %dma_start3A_1120 = arith.constant 0 : i32
      %dma_start3A_1121 = tpu.memref_slice %arg2[%dma_start3A_1120, %multiple_of3A] : memref<264x256xf32, #tpu.memory_space<hbm>> -> memref<264x128xf32, #tpu.memory_space<hbm>>
      %dma_start3A_1122 = arith.constant 384 : i32
      %dma_start3A_1123 = arith.constant 0 : i32
      %dma_start3A_1124 = tpu.memref_slice %arg4[%dma_start3A_1122, %dma_start3A_1123] : memref<1016x128xf32, #tpu.memory_space<vmem>> -> memref<264x128xf32, #tpu.memory_space<vmem>>
      %dma_start3A_1125 = arith.constant 0 : i32
      %dma_start3A_1126 = tpu.memref_slice %arg2[%dma_start3A_1125, %multiple_of3A] : memref<264x256xf32, #tpu.memory_space<hbm>> -> memref<264x128xf32, #tpu.memory_space<hbm>>
      tpu.enqueue_dma source(%dma_start3A_1126 : memref<264x128xf32, #tpu.memory_space<hbm>>) target(%dma_start3A_1124 : memref<264x128xf32, #tpu.memory_space<vmem>>) target_semaphore(%run_scoped3A : memref<!tpu.dma_semaphore, #tpu.memory_space<semaphore_mem>>)
      %dma_wait3A_1127 = arith.constant 384 : i32
      %dma_wait3A_1128 = arith.constant 0 : i32
      %dma_wait3A_1129 = tpu.memref_slice %arg4[%dma_wait3A_1127, %dma_wait3A_1128] : memref<1016x128xf32, #tpu.memory_space<vmem>> -> memref<264x128xf32, #tpu.memory_space<vmem>>
      %dma_wait3A_1130 = arith.constant 0 : i32
      %dma_wait3A_1131 = tpu.memref_slice %arg2[%dma_wait3A_1130, %multiple_of3A] : memref<264x256xf32, #tpu.memory_space<hbm>> -> memref<264x128xf32, #tpu.memory_space<hbm>>
      %dma_wait3A_1132 = arith.constant 384 : i32
      %dma_wait3A_1133 = arith.constant 0 : i32
      %dma_wait3A_1134 = tpu.memref_slice %arg4[%dma_wait3A_1132, %dma_wait3A_1133] : memref<1016x128xf32, #tpu.memory_space<vmem>> -> memref<264x128xf32, #tpu.memory_space<vmem>>
      %dma_wait3A_1135 = arith.constant 0 : i32
      %dma_wait3A_1136 = tpu.memref_slice %arg2[%dma_wait3A_1135, %multiple_of3A] : memref<264x256xf32, #tpu.memory_space<hbm>> -> memref<264x128xf32, #tpu.memory_space<hbm>>
      tpu.wait_dma2 semaphore(%run_scoped3A : memref<!tpu.dma_semaphore, #tpu.memory_space<semaphore_mem>>) src(%dma_wait3A_1136 : memref<264x128xf32, #tpu.memory_space<hbm>>) dst(%dma_wait3A_1134 : memref<264x128xf32, #tpu.memory_space<vmem>>)
      tpu.yield
    }) : () -> ()
    %add3A_11 = arith.constant 376 : i32
    %add3A_12 = arith.addi %add3A_11, %div3A_1 : i32
    %add3A_13 = arith.constant 257 : i32
    %add3A_14 = arith.addi %add3A_12, %add3A_13 : i32
    %while3A = arith.constant 0 : i32
    %while3A_15 = arith.subi %add3A_14, %add3A_12 : i32
    %while3A_16 = arith.addi %add3A_12, %while3A_15 : i32
    %while3A_17 = arith.constant 1 : i32
    %while3A_18 = arith.divsi %while3A_15, %while3A_17 : i32
    %while3A_19 = arith.muli %while3A_18, %while3A_17 : i32
    %while3A_20 = arith.addi %add3A_12, %while3A_19 : i32
    %while3A_21 = arith.constant 1 : i32
    scf.for %while3A_1117 = %add3A_12 to %while3A_20 step %while3A_21  : i32 {
      %add3A_1118 = arith.constant 8 : i32
      %add3A_1119 = arith.addi %while3A_1117, %add3A_1118 : i32
      %sub3A_1120 = arith.subi %add3A_1119, %div3A_1 : i32
      %get3A_1121 = arith.index_cast %sub3A_1120 : i32 to index
      %get3A_1122 = arith.constant 0 : index
      %get3A_1123 = tpu.vector_load %arg4[%get3A_1121, %get3A_1122] {strides = array<i32>} : memref<1016x128xf32, #tpu.memory_space<vmem>>, vector<1x16xf32>,
      %get3A_1124 = vector.shape_cast %get3A_1123 : vector<1x16xf32> to vector<16xf32>
      %swap3A = arith.index_cast %while3A_1117 : i32 to index
      %swap3A_1125 = arith.constant 0 : index
      %swap3A_1126 = tpu.vector_load %arg4[%swap3A, %swap3A_1125] {strides = array<i32>} : memref<1016x128xf32, #tpu.memory_space<vmem>>, vector<1x16xf32>,
      %swap3A_1127 = vector.shape_cast %swap3A_1126 : vector<1x16xf32> to vector<16xf32>
      %swap3A_1128 = vector.shape_cast %get3A_1124 : vector<16xf32> to vector<1x16xf32>
      tpu.vector_store %arg4[%swap3A, %swap3A_1125], %swap3A_1128 {strides = array<i32>} : memref<1016x128xf32, #tpu.memory_space<vmem>>, vector<1x16xf32>,
      %get3A_1129 = arith.index_cast %sub3A_1120 : i32 to index
      %get3A_1130 = arith.constant 16 : index
      %get3A_1131 = tpu.vector_load %arg4[%get3A_1129, %get3A_1130] {strides = array<i32>} : memref<1016x128xf32, #tpu.memory_space<vmem>>, vector<1x16xf32>,
      %get3A_1132 = vector.shape_cast %get3A_1131 : vector<1x16xf32> to vector<16xf32>
      %swap3A_1133 = arith.index_cast %while3A_1117 : i32 to index
      %swap3A_1134 = arith.constant 16 : index
      %swap3A_1135 = tpu.vector_load %arg4[%swap3A_1133, %swap3A_1134] {strides = array<i32>} : memref<1016x128xf32, #tpu.memory_space<vmem>>, vector<1x16xf32>,
      %swap3A_1136 = vector.shape_cast %swap3A_1135 : vector<1x16xf32> to vector<16xf32>
      %swap3A_1137 = vector.shape_cast %get3A_1132 : vector<16xf32> to vector<1x16xf32>
      tpu.vector_store %arg4[%swap3A_1133, %swap3A_1134], %swap3A_1137 {strides = array<i32>} : memref<1016x128xf32, #tpu.memory_space<vmem>>, vector<1x16xf32>,
      %get3A_1138 = arith.index_cast %sub3A_1120 : i32 to index
      %get3A_1139 = arith.constant 32 : index
      %get3A_1140 = tpu.vector_load %arg4[%get3A_1138, %get3A_1139] {strides = array<i32>} : memref<1016x128xf32, #tpu.memory_space<vmem>>, vector<1x16xf32>,
      %get3A_1141 = vector.shape_cast %get3A_1140 : vector<1x16xf32> to vector<16xf32>
      %swap3A_1142 = arith.index_cast %while3A_1117 : i32 to index
      %swap3A_1143 = arith.constant 32 : index
      %swap3A_1144 = tpu.vector_load %arg4[%swap3A_1142, %swap3A_1143] {strides = array<i32>} : memref<1016x128xf32, #tpu.memory_space<vmem>>, vector<1x16xf32>,
      %swap3A_1145 = vector.shape_cast %swap3A_1144 : vector<1x16xf32> to vector<16xf32>
      %swap3A_1146 = vector.shape_cast %get3A_1141 : vector<16xf32> to vector<1x16xf32>
      tpu.vector_store %arg4[%swap3A_1142, %swap3A_1143], %swap3A_1146 {strides = array<i32>} : memref<1016x128xf32, #tpu.memory_space<vmem>>, vector<1x16xf32>,
      %get3A_1147 = arith.index_cast %sub3A_1120 : i32 to index
      %get3A_1148 = arith.constant 48 : index
      %get3A_1149 = tpu.vector_load %arg4[%get3A_1147, %get3A_1148] {strides = array<i32>} : memref<1016x128xf32, #tpu.memory_space<vmem>>, vector<1x16xf32>,
      %get3A_1150 = vector.shape_cast %get3A_1149 : vector<1x16xf32> to vector<16xf32>
      %swap3A_1151 = arith.index_cast %while3A_1117 : i32 to index
      %swap3A_1152 = arith.constant 48 : index
      %swap3A_1153 = tpu.vector_load %arg4[%swap3A_1151, %swap3A_1152] {strides = array<i32>} : memref<1016x128xf32, #tpu.memory_space<vmem>>, vector<1x16xf32>,
      %swap3A_1154 = vector.shape_cast %swap3A_1153 : vector<1x16xf32> to vector<16xf32>
      %swap3A_1155 = vector.shape_cast %get3A_1150 : vector<16xf32> to vector<1x16xf32>
      tpu.vector_store %arg4[%swap3A_1151, %swap3A_1152], %swap3A_1155 {strides = array<i32>} : memref<1016x128xf32, #tpu.memory_space<vmem>>, vector<1x16xf32>,
      %get3A_1156 = arith.index_cast %sub3A_1120 : i32 to index
      %get3A_1157 = arith.constant 64 : index
      %get3A_1158 = tpu.vector_load %arg4[%get3A_1156, %get3A_1157] {strides = array<i32>} : memref<1016x128xf32, #tpu.memory_space<vmem>>, vector<1x16xf32>,
      %get3A_1159 = vector.shape_cast %get3A_1158 : vector<1x16xf32> to vector<16xf32>
      %swap3A_1160 = arith.index_cast %while3A_1117 : i32 to index
      %swap3A_1161 = arith.constant 64 : index
      %swap3A_1162 = tpu.vector_load %arg4[%swap3A_1160, %swap3A_1161] {strides = array<i32>} : memref<1016x128xf32, #tpu.memory_space<vmem>>, vector<1x16xf32>,
      %swap3A_1163 = vector.shape_cast %swap3A_1162 : vector<1x16xf32> to vector<16xf32>
      %swap3A_1164 = vector.shape_cast %get3A_1159 : vector<16xf32> to vector<1x16xf32>
      tpu.vector_store %arg4[%swap3A_1160, %swap3A_1161], %swap3A_1164 {strides = array<i32>} : memref<1016x128xf32, #tpu.memory_space<vmem>>, vector<1x16xf32>,
      %get3A_1165 = arith.index_cast %sub3A_1120 : i32 to index
      %get3A_1166 = arith.constant 80 : index
      %get3A_1167 = tpu.vector_load %arg4[%get3A_1165, %get3A_1166] {strides = array<i32>} : memref<1016x128xf32, #tpu.memory_space<vmem>>, vector<1x16xf32>,
      %get3A_1168 = vector.shape_cast %get3A_1167 : vector<1x16xf32> to vector<16xf32>
      %swap3A_1169 = arith.index_cast %while3A_1117 : i32 to index
      %swap3A_1170 = arith.constant 80 : index
      %swap3A_1171 = tpu.vector_load %arg4[%swap3A_1169, %swap3A_1170] {strides = array<i32>} : memref<1016x128xf32, #tpu.memory_space<vmem>>, vector<1x16xf32>,
      %swap3A_1172 = vector.shape_cast %swap3A_1171 : vector<1x16xf32> to vector<16xf32>
      %swap3A_1173 = vector.shape_cast %get3A_1168 : vector<16xf32> to vector<1x16xf32>
      tpu.vector_store %arg4[%swap3A_1169, %swap3A_1170], %swap3A_1173 {strides = array<i32>} : memref<1016x128xf32, #tpu.memory_space<vmem>>, vector<1x16xf32>,
      %get3A_1174 = arith.index_cast %sub3A_1120 : i32 to index
      %get3A_1175 = arith.constant 96 : index
      %get3A_1176 = tpu.vector_load %arg4[%get3A_1174, %get3A_1175] {strides = array<i32>} : memref<1016x128xf32, #tpu.memory_space<vmem>>, vector<1x16xf32>,
      %get3A_1177 = vector.shape_cast %get3A_1176 : vector<1x16xf32> to vector<16xf32>
      %swap3A_1178 = arith.index_cast %while3A_1117 : i32 to index
      %swap3A_1179 = arith.constant 96 : index
      %swap3A_1180 = tpu.vector_load %arg4[%swap3A_1178, %swap3A_1179] {strides = array<i32>} : memref<1016x128xf32, #tpu.memory_space<vmem>>, vector<1x16xf32>,
      %swap3A_1181 = vector.shape_cast %swap3A_1180 : vector<1x16xf32> to vector<16xf32>
      %swap3A_1182 = vector.shape_cast %get3A_1177 : vector<16xf32> to vector<1x16xf32>
      tpu.vector_store %arg4[%swap3A_1178, %swap3A_1179], %swap3A_1182 {strides = array<i32>} : memref<1016x128xf32, #tpu.memory_space<vmem>>, vector<1x16xf32>,
      %get3A_1183 = arith.index_cast %sub3A_1120 : i32 to index
      %get3A_1184 = arith.constant 112 : index
      %get3A_1185 = tpu.vector_load %arg4[%get3A_1183, %get3A_1184] {strides = array<i32>} : memref<1016x128xf32, #tpu.memory_space<vmem>>, vector<1x16xf32>,
      %get3A_1186 = vector.shape_cast %get3A_1185 : vector<1x16xf32> to vector<16xf32>
      %swap3A_1187 = arith.index_cast %while3A_1117 : i32 to index
      %swap3A_1188 = arith.constant 112 : index
      %swap3A_1189 = tpu.vector_load %arg4[%swap3A_1187, %swap3A_1188] {strides = array<i32>} : memref<1016x128xf32, #tpu.memory_space<vmem>>, vector<1x16xf32>,
      %swap3A_1190 = vector.shape_cast %swap3A_1189 : vector<1x16xf32> to vector<16xf32>
      %swap3A_1191 = vector.shape_cast %get3A_1186 : vector<16xf32> to vector<1x16xf32>
      tpu.vector_store %arg4[%swap3A_1187, %swap3A_1188], %swap3A_1191 {strides = array<i32>} : memref<1016x128xf32, #tpu.memory_space<vmem>>, vector<1x16xf32>,
    }
    %while3A_22 = arith.constant 1 : i32
    scf.for %while3A_1117 = %while3A_20 to %while3A_16 step %while3A_22  : i32 {
      %add3A_1118 = arith.constant 8 : i32
      %add3A_1119 = arith.addi %while3A_1117, %add3A_1118 : i32
      %sub3A_1120 = arith.subi %add3A_1119, %div3A_1 : i32
      %get3A_1121 = arith.index_cast %sub3A_1120 : i32 to index
      %get3A_1122 = arith.constant 0 : index
      %get3A_1123 = tpu.vector_load %arg4[%get3A_1121, %get3A_1122] {strides = array<i32>} : memref<1016x128xf32, #tpu.memory_space<vmem>>, vector<1x16xf32>,
      %get3A_1124 = vector.shape_cast %get3A_1123 : vector<1x16xf32> to vector<16xf32>
      %swap3A = arith.index_cast %while3A_1117 : i32 to index
      %swap3A_1125 = arith.constant 0 : index
      %swap3A_1126 = tpu.vector_load %arg4[%swap3A, %swap3A_1125] {strides = array<i32>} : memref<1016x128xf32, #tpu.memory_space<vmem>>, vector<1x16xf32>,
      %swap3A_1127 = vector.shape_cast %swap3A_1126 : vector<1x16xf32> to vector<16xf32>
      %swap3A_1128 = vector.shape_cast %get3A_1124 : vector<16xf32> to vector<1x16xf32>
      tpu.vector_store %arg4[%swap3A, %swap3A_1125], %swap3A_1128 {strides = array<i32>} : memref<1016x128xf32, #tpu.memory_space<vmem>>, vector<1x16xf32>,
      %get3A_1129 = arith.index_cast %sub3A_1120 : i32 to index
      %get3A_1130 = arith.constant 16 : index
      %get3A_1131 = tpu.vector_load %arg4[%get3A_1129, %get3A_1130] {strides = array<i32>} : memref<1016x128xf32, #tpu.memory_space<vmem>>, vector<1x16xf32>,
      %get3A_1132 = vector.shape_cast %get3A_1131 : vector<1x16xf32> to vector<16xf32>
      %swap3A_1133 = arith.index_cast %while3A_1117 : i32 to index
      %swap3A_1134 = arith.constant 16 : index
      %swap3A_1135 = tpu.vector_load %arg4[%swap3A_1133, %swap3A_1134] {strides = array<i32>} : memref<1016x128xf32, #tpu.memory_space<vmem>>, vector<1x16xf32>,
      %swap3A_1136 = vector.shape_cast %swap3A_1135 : vector<1x16xf32> to vector<16xf32>
      %swap3A_1137 = vector.shape_cast %get3A_1132 : vector<16xf32> to vector<1x16xf32>
      tpu.vector_store %arg4[%swap3A_1133, %swap3A_1134], %swap3A_1137 {strides = array<i32>} : memref<1016x128xf32, #tpu.memory_space<vmem>>, vector<1x16xf32>,
      %get3A_1138 = arith.index_cast %sub3A_1120 : i32 to index
      %get3A_1139 = arith.constant 32 : index
      %get3A_1140 = tpu.vector_load %arg4[%get3A_1138, %get3A_1139] {strides = array<i32>} : memref<1016x128xf32, #tpu.memory_space<vmem>>, vector<1x16xf32>,
      %get3A_1141 = vector.shape_cast %get3A_1140 : vector<1x16xf32> to vector<16xf32>
      %swap3A_1142 = arith.index_cast %while3A_1117 : i32 to index
      %swap3A_1143 = arith.constant 32 : index
      %swap3A_1144 = tpu.vector_load %arg4[%swap3A_1142, %swap3A_1143] {strides = array<i32>} : memref<1016x128xf32, #tpu.memory_space<vmem>>, vector<1x16xf32>,
      %swap3A_1145 = vector.shape_cast %swap3A_1144 : vector<1x16xf32> to vector<16xf32>
      %swap3A_1146 = vector.shape_cast %get3A_1141 : vector<16xf32> to vector<1x16xf32>
      tpu.vector_store %arg4[%swap3A_1142, %swap3A_1143], %swap3A_1146 {strides = array<i32>} : memref<1016x128xf32, #tpu.memory_space<vmem>>, vector<1x16xf32>,
      %get3A_1147 = arith.index_cast %sub3A_1120 : i32 to index
      %get3A_1148 = arith.constant 48 : index
      %get3A_1149 = tpu.vector_load %arg4[%get3A_1147, %get3A_1148] {strides = array<i32>} : memref<1016x128xf32, #tpu.memory_space<vmem>>, vector<1x16xf32>,
      %get3A_1150 = vector.shape_cast %get3A_1149 : vector<1x16xf32> to vector<16xf32>
      %swap3A_1151 = arith.index_cast %while3A_1117 : i32 to index
      %swap3A_1152 = arith.constant 48 : index
      %swap3A_1153 = tpu.vector_load %arg4[%swap3A_1151, %swap3A_1152] {strides = array<i32>} : memref<1016x128xf32, #tpu.memory_space<vmem>>, vector<1x16xf32>,
      %swap3A_1154 = vector.shape_cast %swap3A_1153 : vector<1x16xf32> to vector<16xf32>
      %swap3A_1155 = vector.shape_cast %get3A_1150 : vector<16xf32> to vector<1x16xf32>
      tpu.vector_store %arg4[%swap3A_1151, %swap3A_1152], %swap3A_1155 {strides = array<i32>} : memref<1016x128xf32, #tpu.memory_space<vmem>>, vector<1x16xf32>,
      %get3A_1156 = arith.index_cast %sub3A_1120 : i32 to index
      %get3A_1157 = arith.constant 64 : index
      %get3A_1158 = tpu.vector_load %arg4[%get3A_1156, %get3A_1157] {strides = array<i32>} : memref<1016x128xf32, #tpu.memory_space<vmem>>, vector<1x16xf32>,
      %get3A_1159 = vector.shape_cast %get3A_1158 : vector<1x16xf32> to vector<16xf32>
      %swap3A_1160 = arith.index_cast %while3A_1117 : i32 to index
      %swap3A_1161 = arith.constant 64 : index
      %swap3A_1162 = tpu.vector_load %arg4[%swap3A_1160, %swap3A_1161] {strides = array<i32>} : memref<1016x128xf32, #tpu.memory_space<vmem>>, vector<1x16xf32>,
      %swap3A_1163 = vector.shape_cast %swap3A_1162 : vector<1x16xf32> to vector<16xf32>
      %swap3A_1164 = vector.shape_cast %get3A_1159 : vector<16xf32> to vector<1x16xf32>
      tpu.vector_store %arg4[%swap3A_1160, %swap3A_1161], %swap3A_1164 {strides = array<i32>} : memref<1016x128xf32, #tpu.memory_space<vmem>>, vector<1x16xf32>,
      %get3A_1165 = arith.index_cast %sub3A_1120 : i32 to index
      %get3A_1166 = arith.constant 80 : index
      %get3A_1167 = tpu.vector_load %arg4[%get3A_1165, %get3A_1166] {strides = array<i32>} : memref<1016x128xf32, #tpu.memory_space<vmem>>, vector<1x16xf32>,
      %get3A_1168 = vector.shape_cast %get3A_1167 : vector<1x16xf32> to vector<16xf32>
      %swap3A_1169 = arith.index_cast %while3A_1117 : i32 to index
      %swap3A_1170 = arith.constant 80 : index
      %swap3A_1171 = tpu.vector_load %arg4[%swap3A_1169, %swap3A_1170] {strides = array<i32>} : memref<1016x128xf32, #tpu.memory_space<vmem>>, vector<1x16xf32>,
      %swap3A_1172 = vector.shape_cast %swap3A_1171 : vector<1x16xf32> to vector<16xf32>
      %swap3A_1173 = vector.shape_cast %get3A_1168 : vector<16xf32> to vector<1x16xf32>
      tpu.vector_store %arg4[%swap3A_1169, %swap3A_1170], %swap3A_1173 {strides = array<i32>} : memref<1016x128xf32, #tpu.memory_space<vmem>>, vector<1x16xf32>,
      %get3A_1174 = arith.index_cast %sub3A_1120 : i32 to index
      %get3A_1175 = arith.constant 96 : index
      %get3A_1176 = tpu.vector_load %arg4[%get3A_1174, %get3A_1175] {strides = array<i32>} : memref<1016x128xf32, #tpu.memory_space<vmem>>, vector<1x16xf32>,
      %get3A_1177 = vector.shape_cast %get3A_1176 : vector<1x16xf32> to vector<16xf32>
      %swap3A_1178 = arith.index_cast %while3A_1117 : i32 to index
      %swap3A_1179 = arith.constant 96 : index
      %swap3A_1180 = tpu.vector_load %arg4[%swap3A_1178, %swap3A_1179] {strides = array<i32>} : memref<1016x128xf32, #tpu.memory_space<vmem>>, vector<1x16xf32>,
      %swap3A_1181 = vector.shape_cast %swap3A_1180 : vector<1x16xf32> to vector<16xf32>
      %swap3A_1182 = vector.shape_cast %get3A_1177 : vector<16xf32> to vector<1x16xf32>
      tpu.vector_store %arg4[%swap3A_1178, %swap3A_1179], %swap3A_1182 {strides = array<i32>} : memref<1016x128xf32, #tpu.memory_space<vmem>>, vector<1x16xf32>,
      %get3A_1183 = arith.index_cast %sub3A_1120 : i32 to index
      %get3A_1184 = arith.constant 112 : index
      %get3A_1185 = tpu.vector_load %arg4[%get3A_1183, %get3A_1184] {strides = array<i32>} : memref<1016x128xf32, #tpu.memory_space<vmem>>, vector<1x16xf32>,
      %get3A_1186 = vector.shape_cast %get3A_1185 : vector<1x16xf32> to vector<16xf32>
      %swap3A_1187 = arith.index_cast %while3A_1117 : i32 to index
      %swap3A_1188 = arith.constant 112 : index
      %swap3A_1189 = tpu.vector_load %arg4[%swap3A_1187, %swap3A_1188] {strides = array<i32>} : memref<1016x128xf32, #tpu.memory_space<vmem>>, vector<1x16xf32>,
      %swap3A_1190 = vector.shape_cast %swap3A_1189 : vector<1x16xf32> to vector<16xf32>
      %swap3A_1191 = vector.shape_cast %get3A_1186 : vector<16xf32> to vector<1x16xf32>
      tpu.vector_store %arg4[%swap3A_1187, %swap3A_1188], %swap3A_1191 {strides = array<i32>} : memref<1016x128xf32, #tpu.memory_space<vmem>>, vector<1x16xf32>,
    }
    %get3A = arith.index_cast %add3A_12 : i32 to index
    %get3A_23 = arith.constant 0 : index
    %get3A_24 = tpu.vector_load %arg4[%get3A, %get3A_23] {strides = array<i32>} : memref<1016x128xf32, #tpu.memory_space<vmem>>, vector<1x16xf32>,
    %get3A_25 = vector.shape_cast %get3A_24 : vector<1x16xf32> to vector<16xf32>
    %get3A_26 = arith.index_cast %add3A_12 : i32 to index
    %get3A_27 = arith.constant 16 : index
    %get3A_28 = tpu.vector_load %arg4[%get3A_26, %get3A_27] {strides = array<i32>} : memref<1016x128xf32, #tpu.memory_space<vmem>>, vector<1x16xf32>,
    %get3A_29 = vector.shape_cast %get3A_28 : vector<1x16xf32> to vector<16xf32>
    %get3A_30 = arith.index_cast %add3A_12 : i32 to index
    %get3A_31 = arith.constant 32 : index
    %get3A_32 = tpu.vector_load %arg4[%get3A_30, %get3A_31] {strides = array<i32>} : memref<1016x128xf32, #tpu.memory_space<vmem>>, vector<1x16xf32>,
    %get3A_33 = vector.shape_cast %get3A_32 : vector<1x16xf32> to vector<16xf32>
    %get3A_34 = arith.index_cast %add3A_12 : i32 to index
    %get3A_35 = arith.constant 48 : index
    %get3A_36 = tpu.vector_load %arg4[%get3A_34, %get3A_35] {strides = array<i32>} : memref<1016x128xf32, #tpu.memory_space<vmem>>, vector<1x16xf32>,
    %get3A_37 = vector.shape_cast %get3A_36 : vector<1x16xf32> to vector<16xf32>
    %get3A_38 = arith.index_cast %add3A_12 : i32 to index
    %get3A_39 = arith.constant 64 : index
    %get3A_40 = tpu.vector_load %arg4[%get3A_38, %get3A_39] {strides = array<i32>} : memref<1016x128xf32, #tpu.memory_space<vmem>>, vector<1x16xf32>,
    %get3A_41 = vector.shape_cast %get3A_40 : vector<1x16xf32> to vector<16xf32>
    %get3A_42 = arith.index_cast %add3A_12 : i32 to index
    %get3A_43 = arith.constant 80 : index
    %get3A_44 = tpu.vector_load %arg4[%get3A_42, %get3A_43] {strides = array<i32>} : memref<1016x128xf32, #tpu.memory_space<vmem>>, vector<1x16xf32>,
    %get3A_45 = vector.shape_cast %get3A_44 : vector<1x16xf32> to vector<16xf32>
    %get3A_46 = arith.index_cast %add3A_12 : i32 to index
    %get3A_47 = arith.constant 96 : index
    %get3A_48 = tpu.vector_load %arg4[%get3A_46, %get3A_47] {strides = array<i32>} : memref<1016x128xf32, #tpu.memory_space<vmem>>, vector<1x16xf32>,
    %get3A_49 = vector.shape_cast %get3A_48 : vector<1x16xf32> to vector<16xf32>
    %get3A_50 = arith.index_cast %add3A_12 : i32 to index
    %get3A_51 = arith.constant 112 : index
    %get3A_52 = tpu.vector_load %arg4[%get3A_50, %get3A_51] {strides = array<i32>} : memref<1016x128xf32, #tpu.memory_space<vmem>>, vector<1x16xf32>,
    %get3A_53 = vector.shape_cast %get3A_52 : vector<1x16xf32> to vector<16xf32>
    %sub3A = arith.constant 1 : i32
    %sub3A_54 = arith.subi %add3A_14, %sub3A : i32
    %get3A_55 = arith.index_cast %sub3A_54 : i32 to index
    %get3A_56 = arith.constant 0 : index
    %get3A_57 = tpu.vector_load %arg4[%get3A_55, %get3A_56] {strides = array<i32>} : memref<1016x128xf32, #tpu.memory_space<vmem>>, vector<1x16xf32>,
    %get3A_58 = vector.shape_cast %get3A_57 : vector<1x16xf32> to vector<16xf32>
    %sub3A_59 = arith.constant 1 : i32
    %sub3A_60 = arith.subi %add3A_14, %sub3A_59 : i32
    %get3A_61 = arith.index_cast %sub3A_60 : i32 to index
    %get3A_62 = arith.constant 16 : index
    %get3A_63 = tpu.vector_load %arg4[%get3A_61, %get3A_62] {strides = array<i32>} : memref<1016x128xf32, #tpu.memory_space<vmem>>, vector<1x16xf32>,
    %get3A_64 = vector.shape_cast %get3A_63 : vector<1x16xf32> to vector<16xf32>
    %sub3A_65 = arith.constant 1 : i32
    %sub3A_66 = arith.subi %add3A_14, %sub3A_65 : i32
    %get3A_67 = arith.index_cast %sub3A_66 : i32 to index
    %get3A_68 = arith.constant 32 : index
    %get3A_69 = tpu.vector_load %arg4[%get3A_67, %get3A_68] {strides = array<i32>} : memref<1016x128xf32, #tpu.memory_space<vmem>>, vector<1x16xf32>,
    %get3A_70 = vector.shape_cast %get3A_69 : vector<1x16xf32> to vector<16xf32>
    %sub3A_71 = arith.constant 1 : i32
    %sub3A_72 = arith.subi %add3A_14, %sub3A_71 : i32
    %get3A_73 = arith.index_cast %sub3A_72 : i32 to index
    %get3A_74 = arith.constant 48 : index
    %get3A_75 = tpu.vector_load %arg4[%get3A_73, %get3A_74] {strides = array<i32>} : memref<1016x128xf32, #tpu.memory_space<vmem>>, vector<1x16xf32>,
    %get3A_76 = vector.shape_cast %get3A_75 : vector<1x16xf32> to vector<16xf32>
    %sub3A_77 = arith.constant 1 : i32
    %sub3A_78 = arith.subi %add3A_14, %sub3A_77 : i32
    %get3A_79 = arith.index_cast %sub3A_78 : i32 to index
    %get3A_80 = arith.constant 64 : index
    %get3A_81 = tpu.vector_load %arg4[%get3A_79, %get3A_80] {strides = array<i32>} : memref<1016x128xf32, #tpu.memory_space<vmem>>, vector<1x16xf32>,
    %get3A_82 = vector.shape_cast %get3A_81 : vector<1x16xf32> to vector<16xf32>
    %sub3A_83 = arith.constant 1 : i32
    %sub3A_84 = arith.subi %add3A_14, %sub3A_83 : i32
    %get3A_85 = arith.index_cast %sub3A_84 : i32 to index
    %get3A_86 = arith.constant 80 : index
    %get3A_87 = tpu.vector_load %arg4[%get3A_85, %get3A_86] {strides = array<i32>} : memref<1016x128xf32, #tpu.memory_space<vmem>>, vector<1x16xf32>,
    %get3A_88 = vector.shape_cast %get3A_87 : vector<1x16xf32> to vector<16xf32>
    %sub3A_89 = arith.constant 1 : i32
    %sub3A_90 = arith.subi %add3A_14, %sub3A_89 : i32
    %get3A_91 = arith.index_cast %sub3A_90 : i32 to index
    %get3A_92 = arith.constant 96 : index
    %get3A_93 = tpu.vector_load %arg4[%get3A_91, %get3A_92] {strides = array<i32>} : memref<1016x128xf32, #tpu.memory_space<vmem>>, vector<1x16xf32>,
    %get3A_94 = vector.shape_cast %get3A_93 : vector<1x16xf32> to vector<16xf32>
    %sub3A_95 = arith.constant 1 : i32
    %sub3A_96 = arith.subi %add3A_14, %sub3A_95 : i32
    %get3A_97 = arith.index_cast %sub3A_96 : i32 to index
    %get3A_98 = arith.constant 112 : index
    %get3A_99 = tpu.vector_load %arg4[%get3A_97, %get3A_98] {strides = array<i32>} : memref<1016x128xf32, #tpu.memory_space<vmem>>, vector<1x16xf32>,
    %get3A_100 = vector.shape_cast %get3A_99 : vector<1x16xf32> to vector<16xf32>
    %mul3A_101 = arith.constant 8 : i32
    %mul3A_102 = arith.muli %mul3A_101, %mul3A_10 : i32
    %sub3A_103 = arith.constant 256 : i32
    %sub3A_104 = arith.subi %sub3A_103, %mul3A_102 : i32
    %while3A_105 = arith.constant 0 : i32
    %while3A_106 = arith.subi %add3A_12, %sub3A_104 : i32
    %while3A_107 = arith.addi %sub3A_104, %while3A_106 : i32
    %while3A_108 = arith.constant 1 : i32
    %while3A_109 = arith.divsi %while3A_106, %while3A_108 : i32
    %while3A_110 = arith.muli %while3A_109, %while3A_108 : i32
    %while3A_111 = arith.addi %sub3A_104, %while3A_110 : i32
    %while3A_112 = arith.constant 1 : i32
    scf.for %while3A_1117 = %sub3A_104 to %while3A_111 step %while3A_112  : i32 {
      %swap3A = arith.index_cast %while3A_1117 : i32 to index
      %swap3A_1118 = arith.constant 0 : index
      %swap3A_1119 = tpu.vector_load %arg4[%swap3A, %swap3A_1118] {strides = array<i32>} : memref<1016x128xf32, #tpu.memory_space<vmem>>, vector<1x16xf32>,
      %swap3A_1120 = vector.shape_cast %swap3A_1119 : vector<1x16xf32> to vector<16xf32>
      %swap3A_1121 = vector.shape_cast %get3A_25 : vector<16xf32> to vector<1x16xf32>
      tpu.vector_store %arg4[%swap3A, %swap3A_1118], %swap3A_1121 {strides = array<i32>} : memref<1016x128xf32, #tpu.memory_space<vmem>>, vector<1x16xf32>,
      %swap3A_1122 = arith.index_cast %while3A_1117 : i32 to index
      %swap3A_1123 = arith.constant 16 : index
      %swap3A_1124 = tpu.vector_load %arg4[%swap3A_1122, %swap3A_1123] {strides = array<i32>} : memref<1016x128xf32, #tpu.memory_space<vmem>>, vector<1x16xf32>,
      %swap3A_1125 = vector.shape_cast %swap3A_1124 : vector<1x16xf32> to vector<16xf32>
      %swap3A_1126 = vector.shape_cast %get3A_29 : vector<16xf32> to vector<1x16xf32>
      tpu.vector_store %arg4[%swap3A_1122, %swap3A_1123], %swap3A_1126 {strides = array<i32>} : memref<1016x128xf32, #tpu.memory_space<vmem>>, vector<1x16xf32>,
      %swap3A_1127 = arith.index_cast %while3A_1117 : i32 to index
      %swap3A_1128 = arith.constant 32 : index
      %swap3A_1129 = tpu.vector_load %arg4[%swap3A_1127, %swap3A_1128] {strides = array<i32>} : memref<1016x128xf32, #tpu.memory_space<vmem>>, vector<1x16xf32>,
      %swap3A_1130 = vector.shape_cast %swap3A_1129 : vector<1x16xf32> to vector<16xf32>
      %swap3A_1131 = vector.shape_cast %get3A_33 : vector<16xf32> to vector<1x16xf32>
      tpu.vector_store %arg4[%swap3A_1127, %swap3A_1128], %swap3A_1131 {strides = array<i32>} : memref<1016x128xf32, #tpu.memory_space<vmem>>, vector<1x16xf32>,
      %swap3A_1132 = arith.index_cast %while3A_1117 : i32 to index
      %swap3A_1133 = arith.constant 48 : index
      %swap3A_1134 = tpu.vector_load %arg4[%swap3A_1132, %swap3A_1133] {strides = array<i32>} : memref<1016x128xf32, #tpu.memory_space<vmem>>, vector<1x16xf32>,
      %swap3A_1135 = vector.shape_cast %swap3A_1134 : vector<1x16xf32> to vector<16xf32>
      %swap3A_1136 = vector.shape_cast %get3A_37 : vector<16xf32> to vector<1x16xf32>
      tpu.vector_store %arg4[%swap3A_1132, %swap3A_1133], %swap3A_1136 {strides = array<i32>} : memref<1016x128xf32, #tpu.memory_space<vmem>>, vector<1x16xf32>,
      %swap3A_1137 = arith.index_cast %while3A_1117 : i32 to index
      %swap3A_1138 = arith.constant 64 : index
      %swap3A_1139 = tpu.vector_load %arg4[%swap3A_1137, %swap3A_1138] {strides = array<i32>} : memref<1016x128xf32, #tpu.memory_space<vmem>>, vector<1x16xf32>,
      %swap3A_1140 = vector.shape_cast %swap3A_1139 : vector<1x16xf32> to vector<16xf32>
      %swap3A_1141 = vector.shape_cast %get3A_41 : vector<16xf32> to vector<1x16xf32>
      tpu.vector_store %arg4[%swap3A_1137, %swap3A_1138], %swap3A_1141 {strides = array<i32>} : memref<1016x128xf32, #tpu.memory_space<vmem>>, vector<1x16xf32>,
      %swap3A_1142 = arith.index_cast %while3A_1117 : i32 to index
      %swap3A_1143 = arith.constant 80 : index
      %swap3A_1144 = tpu.vector_load %arg4[%swap3A_1142, %swap3A_1143] {strides = array<i32>} : memref<1016x128xf32, #tpu.memory_space<vmem>>, vector<1x16xf32>,
      %swap3A_1145 = vector.shape_cast %swap3A_1144 : vector<1x16xf32> to vector<16xf32>
      %swap3A_1146 = vector.shape_cast %get3A_45 : vector<16xf32> to vector<1x16xf32>
      tpu.vector_store %arg4[%swap3A_1142, %swap3A_1143], %swap3A_1146 {strides = array<i32>} : memref<1016x128xf32, #tpu.memory_space<vmem>>, vector<1x16xf32>,
      %swap3A_1147 = arith.index_cast %while3A_1117 : i32 to index
      %swap3A_1148 = arith.constant 96 : index
      %swap3A_1149 = tpu.vector_load %arg4[%swap3A_1147, %swap3A_1148] {strides = array<i32>} : memref<1016x128xf32, #tpu.memory_space<vmem>>, vector<1x16xf32>,
      %swap3A_1150 = vector.shape_cast %swap3A_1149 : vector<1x16xf32> to vector<16xf32>
      %swap3A_1151 = vector.shape_cast %get3A_49 : vector<16xf32> to vector<1x16xf32>
      tpu.vector_store %arg4[%swap3A_1147, %swap3A_1148], %swap3A_1151 {strides = array<i32>} : memref<1016x128xf32, #tpu.memory_space<vmem>>, vector<1x16xf32>,
      %swap3A_1152 = arith.index_cast %while3A_1117 : i32 to index
      %swap3A_1153 = arith.constant 112 : index
      %swap3A_1154 = tpu.vector_load %arg4[%swap3A_1152, %swap3A_1153] {strides = array<i32>} : memref<1016x128xf32, #tpu.memory_space<vmem>>, vector<1x16xf32>,
      %swap3A_1155 = vector.shape_cast %swap3A_1154 : vector<1x16xf32> to vector<16xf32>
      %swap3A_1156 = vector.shape_cast %get3A_53 : vector<16xf32> to vector<1x16xf32>
      tpu.vector_store %arg4[%swap3A_1152, %swap3A_1153], %swap3A_1156 {strides = array<i32>} : memref<1016x128xf32, #tpu.memory_space<vmem>>, vector<1x16xf32>,
    }
    %while3A_113 = arith.constant 1 : i32
    scf.for %while3A_1117 = %while3A_111 to %while3A_107 step %while3A_113  : i32 {
      %swap3A = arith.index_cast %while3A_1117 : i32 to index
      %swap3A_1118 = arith.constant 0 : index
      %swap3A_1119 = tpu.vector_load %arg4[%swap3A, %swap3A_1118] {strides = array<i32>} : memref<1016x128xf32, #tpu.memory_space<vmem>>, vector<1x16xf32>,
      %swap3A_1120 = vector.shape_cast %swap3A_1119 : vector<1x16xf32> to vector<16xf32>
      %swap3A_1121 = vector.shape_cast %get3A_25 : vector<16xf32> to vector<1x16xf32>
      tpu.vector_store %arg4[%swap3A, %swap3A_1118], %swap3A_1121 {strides = array<i32>} : memref<1016x128xf32, #tpu.memory_space<vmem>>, vector<1x16xf32>,
      %swap3A_1122 = arith.index_cast %while3A_1117 : i32 to index
      %swap3A_1123 = arith.constant 16 : index
      %swap3A_1124 = tpu.vector_load %arg4[%swap3A_1122, %swap3A_1123] {strides = array<i32>} : memref<1016x128xf32, #tpu.memory_space<vmem>>, vector<1x16xf32>,
      %swap3A_1125 = vector.shape_cast %swap3A_1124 : vector<1x16xf32> to vector<16xf32>
      %swap3A_1126 = vector.shape_cast %get3A_29 : vector<16xf32> to vector<1x16xf32>
      tpu.vector_store %arg4[%swap3A_1122, %swap3A_1123], %swap3A_1126 {strides = array<i32>} : memref<1016x128xf32, #tpu.memory_space<vmem>>, vector<1x16xf32>,
      %swap3A_1127 = arith.index_cast %while3A_1117 : i32 to index
      %swap3A_1128 = arith.constant 32 : index
      %swap3A_1129 = tpu.vector_load %arg4[%swap3A_1127, %swap3A_1128] {strides = array<i32>} : memref<1016x128xf32, #tpu.memory_space<vmem>>, vector<1x16xf32>,
      %swap3A_1130 = vector.shape_cast %swap3A_1129 : vector<1x16xf32> to vector<16xf32>
      %swap3A_1131 = vector.shape_cast %get3A_33 : vector<16xf32> to vector<1x16xf32>
      tpu.vector_store %arg4[%swap3A_1127, %swap3A_1128], %swap3A_1131 {strides = array<i32>} : memref<1016x128xf32, #tpu.memory_space<vmem>>, vector<1x16xf32>,
      %swap3A_1132 = arith.index_cast %while3A_1117 : i32 to index
      %swap3A_1133 = arith.constant 48 : index
      %swap3A_1134 = tpu.vector_load %arg4[%swap3A_1132, %swap3A_1133] {strides = array<i32>} : memref<1016x128xf32, #tpu.memory_space<vmem>>, vector<1x16xf32>,
      %swap3A_1135 = vector.shape_cast %swap3A_1134 : vector<1x16xf32> to vector<16xf32>
      %swap3A_1136 = vector.shape_cast %get3A_37 : vector<16xf32> to vector<1x16xf32>
      tpu.vector_store %arg4[%swap3A_1132, %swap3A_1133], %swap3A_1136 {strides = array<i32>} : memref<1016x128xf32, #tpu.memory_space<vmem>>, vector<1x16xf32>,
      %swap3A_1137 = arith.index_cast %while3A_1117 : i32 to index
      %swap3A_1138 = arith.constant 64 : index
      %swap3A_1139 = tpu.vector_load %arg4[%swap3A_1137, %swap3A_1138] {strides = array<i32>} : memref<1016x128xf32, #tpu.memory_space<vmem>>, vector<1x16xf32>,
      %swap3A_1140 = vector.shape_cast %swap3A_1139 : vector<1x16xf32> to vector<16xf32>
      %swap3A_1141 = vector.shape_cast %get3A_41 : vector<16xf32> to vector<1x16xf32>
      tpu.vector_store %arg4[%swap3A_1137, %swap3A_1138], %swap3A_1141 {strides = array<i32>} : memref<1016x128xf32, #tpu.memory_space<vmem>>, vector<1x16xf32>,
      %swap3A_1142 = arith.index_cast %while3A_1117 : i32 to index
      %swap3A_1143 = arith.constant 80 : index
      %swap3A_1144 = tpu.vector_load %arg4[%swap3A_1142, %swap3A_1143] {strides = array<i32>} : memref<1016x128xf32, #tpu.memory_space<vmem>>, vector<1x16xf32>,
      %swap3A_1145 = vector.shape_cast %swap3A_1144 : vector<1x16xf32> to vector<16xf32>
      %swap3A_1146 = vector.shape_cast %get3A_45 : vector<16xf32> to vector<1x16xf32>
      tpu.vector_store %arg4[%swap3A_1142, %swap3A_1143], %swap3A_1146 {strides = array<i32>} : memref<1016x128xf32, #tpu.memory_space<vmem>>, vector<1x16xf32>,
      %swap3A_1147 = arith.index_cast %while3A_1117 : i32 to index
      %swap3A_1148 = arith.constant 96 : index
      %swap3A_1149 = tpu.vector_load %arg4[%swap3A_1147, %swap3A_1148] {strides = array<i32>} : memref<1016x128xf32, #tpu.memory_space<vmem>>, vector<1x16xf32>,
      %swap3A_1150 = vector.shape_cast %swap3A_1149 : vector<1x16xf32> to vector<16xf32>
      %swap3A_1151 = vector.shape_cast %get3A_49 : vector<16xf32> to vector<1x16xf32>
      tpu.vector_store %arg4[%swap3A_1147, %swap3A_1148], %swap3A_1151 {strides = array<i32>} : memref<1016x128xf32, #tpu.memory_space<vmem>>, vector<1x16xf32>,
      %swap3A_1152 = arith.index_cast %while3A_1117 : i32 to index
      %swap3A_1153 = arith.constant 112 : index
      %swap3A_1154 = tpu.vector_load %arg4[%swap3A_1152, %swap3A_1153] {strides = array<i32>} : memref<1016x128xf32, #tpu.memory_space<vmem>>, vector<1x16xf32>,
      %swap3A_1155 = vector.shape_cast %swap3A_1154 : vector<1x16xf32> to vector<16xf32>
      %swap3A_1156 = vector.shape_cast %get3A_53 : vector<16xf32> to vector<1x16xf32>
      tpu.vector_store %arg4[%swap3A_1152, %swap3A_1153], %swap3A_1156 {strides = array<i32>} : memref<1016x128xf32, #tpu.memory_space<vmem>>, vector<1x16xf32>,
    }
    %mul3A_114 = arith.constant 8 : i32
    %mul3A_115 = arith.muli %mul3A_114, %mul3A_10 : i32
    %sub3A_116 = arith.constant 1016 : i32
    %sub3A_117 = arith.subi %sub3A_116, %mul3A_115 : i32
    %while3A_118 = arith.constant 0 : i32
    %while3A_119 = arith.subi %sub3A_117, %add3A_14 : i32
    %while3A_120 = arith.addi %add3A_14, %while3A_119 : i32
    %while3A_121 = arith.constant 1 : i32
    %while3A_122 = arith.divsi %while3A_119, %while3A_121 : i32
    %while3A_123 = arith.muli %while3A_122, %while3A_121 : i32
    %while3A_124 = arith.addi %add3A_14, %while3A_123 : i32
    %while3A_125 = arith.constant 1 : i32
    scf.for %while3A_1117 = %add3A_14 to %while3A_124 step %while3A_125  : i32 {
      %swap3A = arith.index_cast %while3A_1117 : i32 to index
      %swap3A_1118 = arith.constant 0 : index
      %swap3A_1119 = tpu.vector_load %arg4[%swap3A, %swap3A_1118] {strides = array<i32>} : memref<1016x128xf32, #tpu.memory_space<vmem>>, vector<1x16xf32>,
      %swap3A_1120 = vector.shape_cast %swap3A_1119 : vector<1x16xf32> to vector<16xf32>
      %swap3A_1121 = vector.shape_cast %get3A_58 : vector<16xf32> to vector<1x16xf32>
      tpu.vector_store %arg4[%swap3A, %swap3A_1118], %swap3A_1121 {strides = array<i32>} : memref<1016x128xf32, #tpu.memory_space<vmem>>, vector<1x16xf32>,
      %swap3A_1122 = arith.index_cast %while3A_1117 : i32 to index
      %swap3A_1123 = arith.constant 16 : index
      %swap3A_1124 = tpu.vector_load %arg4[%swap3A_1122, %swap3A_1123] {strides = array<i32>} : memref<1016x128xf32, #tpu.memory_space<vmem>>, vector<1x16xf32>,
      %swap3A_1125 = vector.shape_cast %swap3A_1124 : vector<1x16xf32> to vector<16xf32>
      %swap3A_1126 = vector.shape_cast %get3A_64 : vector<16xf32> to vector<1x16xf32>
      tpu.vector_store %arg4[%swap3A_1122, %swap3A_1123], %swap3A_1126 {strides = array<i32>} : memref<1016x128xf32, #tpu.memory_space<vmem>>, vector<1x16xf32>,
      %swap3A_1127 = arith.index_cast %while3A_1117 : i32 to index
      %swap3A_1128 = arith.constant 32 : index
      %swap3A_1129 = tpu.vector_load %arg4[%swap3A_1127, %swap3A_1128] {strides = array<i32>} : memref<1016x128xf32, #tpu.memory_space<vmem>>, vector<1x16xf32>,
      %swap3A_1130 = vector.shape_cast %swap3A_1129 : vector<1x16xf32> to vector<16xf32>
      %swap3A_1131 = vector.shape_cast %get3A_70 : vector<16xf32> to vector<1x16xf32>
      tpu.vector_store %arg4[%swap3A_1127, %swap3A_1128], %swap3A_1131 {strides = array<i32>} : memref<1016x128xf32, #tpu.memory_space<vmem>>, vector<1x16xf32>,
      %swap3A_1132 = arith.index_cast %while3A_1117 : i32 to index
      %swap3A_1133 = arith.constant 48 : index
      %swap3A_1134 = tpu.vector_load %arg4[%swap3A_1132, %swap3A_1133] {strides = array<i32>} : memref<1016x128xf32, #tpu.memory_space<vmem>>, vector<1x16xf32>,
      %swap3A_1135 = vector.shape_cast %swap3A_1134 : vector<1x16xf32> to vector<16xf32>
      %swap3A_1136 = vector.shape_cast %get3A_76 : vector<16xf32> to vector<1x16xf32>
      tpu.vector_store %arg4[%swap3A_1132, %swap3A_1133], %swap3A_1136 {strides = array<i32>} : memref<1016x128xf32, #tpu.memory_space<vmem>>, vector<1x16xf32>,
      %swap3A_1137 = arith.index_cast %while3A_1117 : i32 to index
      %swap3A_1138 = arith.constant 64 : index
      %swap3A_1139 = tpu.vector_load %arg4[%swap3A_1137, %swap3A_1138] {strides = array<i32>} : memref<1016x128xf32, #tpu.memory_space<vmem>>, vector<1x16xf32>,
      %swap3A_1140 = vector.shape_cast %swap3A_1139 : vector<1x16xf32> to vector<16xf32>
      %swap3A_1141 = vector.shape_cast %get3A_82 : vector<16xf32> to vector<1x16xf32>
      tpu.vector_store %arg4[%swap3A_1137, %swap3A_1138], %swap3A_1141 {strides = array<i32>} : memref<1016x128xf32, #tpu.memory_space<vmem>>, vector<1x16xf32>,
      %swap3A_1142 = arith.index_cast %while3A_1117 : i32 to index
      %swap3A_1143 = arith.constant 80 : index
      %swap3A_1144 = tpu.vector_load %arg4[%swap3A_1142, %swap3A_1143] {strides = array<i32>} : memref<1016x128xf32, #tpu.memory_space<vmem>>, vector<1x16xf32>,
      %swap3A_1145 = vector.shape_cast %swap3A_1144 : vector<1x16xf32> to vector<16xf32>
      %swap3A_1146 = vector.shape_cast %get3A_88 : vector<16xf32> to vector<1x16xf32>
      tpu.vector_store %arg4[%swap3A_1142, %swap3A_1143], %swap3A_1146 {strides = array<i32>} : memref<1016x128xf32, #tpu.memory_space<vmem>>, vector<1x16xf32>,
      %swap3A_1147 = arith.index_cast %while3A_1117 : i32 to index
      %swap3A_1148 = arith.constant 96 : index
      %swap3A_1149 = tpu.vector_load %arg4[%swap3A_1147, %swap3A_1148] {strides = array<i32>} : memref<1016x128xf32, #tpu.memory_space<vmem>>, vector<1x16xf32>,
      %swap3A_1150 = vector.shape_cast %swap3A_1149 : vector<1x16xf32> to vector<16xf32>
      %swap3A_1151 = vector.shape_cast %get3A_94 : vector<16xf32> to vector<1x16xf32>
      tpu.vector_store %arg4[%swap3A_1147, %swap3A_1148], %swap3A_1151 {strides = array<i32>} : memref<1016x128xf32, #tpu.memory_space<vmem>>, vector<1x16xf32>,
      %swap3A_1152 = arith.index_cast %while3A_1117 : i32 to index
      %swap3A_1153 = arith.constant 112 : index
      %swap3A_1154 = tpu.vector_load %arg4[%swap3A_1152, %swap3A_1153] {strides = array<i32>} : memref<1016x128xf32, #tpu.memory_space<vmem>>, vector<1x16xf32>,
      %swap3A_1155 = vector.shape_cast %swap3A_1154 : vector<1x16xf32> to vector<16xf32>
      %swap3A_1156 = vector.shape_cast %get3A_100 : vector<16xf32> to vector<1x16xf32>
      tpu.vector_store %arg4[%swap3A_1152, %swap3A_1153], %swap3A_1156 {strides = array<i32>} : memref<1016x128xf32, #tpu.memory_space<vmem>>, vector<1x16xf32>,
    }
    %while3A_126 = arith.constant 1 : i32
    scf.for %while3A_1117 = %while3A_124 to %while3A_120 step %while3A_126  : i32 {
      %swap3A = arith.index_cast %while3A_1117 : i32 to index
      %swap3A_1118 = arith.constant 0 : index
      %swap3A_1119 = tpu.vector_load %arg4[%swap3A, %swap3A_1118] {strides = array<i32>} : memref<1016x128xf32, #tpu.memory_space<vmem>>, vector<1x16xf32>,
      %swap3A_1120 = vector.shape_cast %swap3A_1119 : vector<1x16xf32> to vector<16xf32>
      %swap3A_1121 = vector.shape_cast %get3A_58 : vector<16xf32> to vector<1x16xf32>
      tpu.vector_store %arg4[%swap3A, %swap3A_1118], %swap3A_1121 {strides = array<i32>} : memref<1016x128xf32, #tpu.memory_space<vmem>>, vector<1x16xf32>,
      %swap3A_1122 = arith.index_cast %while3A_1117 : i32 to index
      %swap3A_1123 = arith.constant 16 : index
      %swap3A_1124 = tpu.vector_load %arg4[%swap3A_1122, %swap3A_1123] {strides = array<i32>} : memref<1016x128xf32, #tpu.memory_space<vmem>>, vector<1x16xf32>,
      %swap3A_1125 = vector.shape_cast %swap3A_1124 : vector<1x16xf32> to vector<16xf32>
      %swap3A_1126 = vector.shape_cast %get3A_64 : vector<16xf32> to vector<1x16xf32>
      tpu.vector_store %arg4[%swap3A_1122, %swap3A_1123], %swap3A_1126 {strides = array<i32>} : memref<1016x128xf32, #tpu.memory_space<vmem>>, vector<1x16xf32>,
      %swap3A_1127 = arith.index_cast %while3A_1117 : i32 to index
      %swap3A_1128 = arith.constant 32 : index
      %swap3A_1129 = tpu.vector_load %arg4[%swap3A_1127, %swap3A_1128] {strides = array<i32>} : memref<1016x128xf32, #tpu.memory_space<vmem>>, vector<1x16xf32>,
      %swap3A_1130 = vector.shape_cast %swap3A_1129 : vector<1x16xf32> to vector<16xf32>
      %swap3A_1131 = vector.shape_cast %get3A_70 : vector<16xf32> to vector<1x16xf32>
      tpu.vector_store %arg4[%swap3A_1127, %swap3A_1128], %swap3A_1131 {strides = array<i32>} : memref<1016x128xf32, #tpu.memory_space<vmem>>, vector<1x16xf32>,
      %swap3A_1132 = arith.index_cast %while3A_1117 : i32 to index
      %swap3A_1133 = arith.constant 48 : index
      %swap3A_1134 = tpu.vector_load %arg4[%swap3A_1132, %swap3A_1133] {strides = array<i32>} : memref<1016x128xf32, #tpu.memory_space<vmem>>, vector<1x16xf32>,
      %swap3A_1135 = vector.shape_cast %swap3A_1134 : vector<1x16xf32> to vector<16xf32>
      %swap3A_1136 = vector.shape_cast %get3A_76 : vector<16xf32> to vector<1x16xf32>
      tpu.vector_store %arg4[%swap3A_1132, %swap3A_1133], %swap3A_1136 {strides = array<i32>} : memref<1016x128xf32, #tpu.memory_space<vmem>>, vector<1x16xf32>,
      %swap3A_1137 = arith.index_cast %while3A_1117 : i32 to index
      %swap3A_1138 = arith.constant 64 : index
      %swap3A_1139 = tpu.vector_load %arg4[%swap3A_1137, %swap3A_1138] {strides = array<i32>} : memref<1016x128xf32, #tpu.memory_space<vmem>>, vector<1x16xf32>,
      %swap3A_1140 = vector.shape_cast %swap3A_1139 : vector<1x16xf32> to vector<16xf32>
      %swap3A_1141 = vector.shape_cast %get3A_82 : vector<16xf32> to vector<1x16xf32>
      tpu.vector_store %arg4[%swap3A_1137, %swap3A_1138], %swap3A_1141 {strides = array<i32>} : memref<1016x128xf32, #tpu.memory_space<vmem>>, vector<1x16xf32>,
      %swap3A_1142 = arith.index_cast %while3A_1117 : i32 to index
      %swap3A_1143 = arith.constant 80 : index
      %swap3A_1144 = tpu.vector_load %arg4[%swap3A_1142, %swap3A_1143] {strides = array<i32>} : memref<1016x128xf32, #tpu.memory_space<vmem>>, vector<1x16xf32>,
      %swap3A_1145 = vector.shape_cast %swap3A_1144 : vector<1x16xf32> to vector<16xf32>
      %swap3A_1146 = vector.shape_cast %get3A_88 : vector<16xf32> to vector<1x16xf32>
      tpu.vector_store %arg4[%swap3A_1142, %swap3A_1143], %swap3A_1146 {strides = array<i32>} : memref<1016x128xf32, #tpu.memory_space<vmem>>, vector<1x16xf32>,
      %swap3A_1147 = arith.index_cast %while3A_1117 : i32 to index
      %swap3A_1148 = arith.constant 96 : index
      %swap3A_1149 = tpu.vector_load %arg4[%swap3A_1147, %swap3A_1148] {strides = array<i32>} : memref<1016x128xf32, #tpu.memory_space<vmem>>, vector<1x16xf32>,
      %swap3A_1150 = vector.shape_cast %swap3A_1149 : vector<1x16xf32> to vector<16xf32>
      %swap3A_1151 = vector.shape_cast %get3A_94 : vector<16xf32> to vector<1x16xf32>
      tpu.vector_store %arg4[%swap3A_1147, %swap3A_1148], %swap3A_1151 {strides = array<i32>} : memref<1016x128xf32, #tpu.memory_space<vmem>>, vector<1x16xf32>,
      %swap3A_1152 = arith.index_cast %while3A_1117 : i32 to index
      %swap3A_1153 = arith.constant 112 : index
      %swap3A_1154 = tpu.vector_load %arg4[%swap3A_1152, %swap3A_1153] {strides = array<i32>} : memref<1016x128xf32, #tpu.memory_space<vmem>>, vector<1x16xf32>,
      %swap3A_1155 = vector.shape_cast %swap3A_1154 : vector<1x16xf32> to vector<16xf32>
      %swap3A_1156 = vector.shape_cast %get3A_100 : vector<16xf32> to vector<1x16xf32>
      tpu.vector_store %arg4[%swap3A_1152, %swap3A_1153], %swap3A_1156 {strides = array<i32>} : memref<1016x128xf32, #tpu.memory_space<vmem>>, vector<1x16xf32>,
    }
    %add3A_127 = arith.constant 0 : i32
    %add3A_128 = arith.addi %mul3A_10, %add3A_127 : i32
    %mul3A_129 = arith.constant 8 : i32
    %mul3A_130 = arith.muli %mul3A_129, %add3A_128 : i32
    %add3A_131 = arith.addi %div3A_1, %mul3A_130 : i32
    %mul3A_132 = arith.constant 8 : i32
    %mul3A_133 = arith.muli %mul3A_132, %add3A_128 : i32
    %sub3A_134 = arith.constant 504 : i32
    %sub3A_135 = arith.subi %sub3A_134, %mul3A_133 : i32
    %multiple_of3A_136 = tpu.assume_multiple %sub3A_135, 8 : i32
    %multiple_of3A_137 = tpu.assume_multiple %mul3A_6, 128 : i32
    %dma_start3A = arith.constant 0 : i32
    %dma_start3A_138 = tpu.memref_slice %arg4[%multiple_of3A_136, %dma_start3A] : memref<1016x128xf32, #tpu.memory_space<vmem>> -> memref<512x128xf32, #tpu.memory_space<vmem>>
    %dma_start3A_139 = arith.constant 0 : i32
    %dma_start3A_140 = tpu.memref_slice %arg3[%add3A_131, %dma_start3A_139, %multiple_of3A_137] : memref<512x512x256xf32, #tpu.memory_space<hbm>> -> memref<1x512x128xf32, #tpu.memory_space<hbm>>
    %dma_start3A_141 = tpu.memref_squeeze %dma_start3A_140 : memref<1x512x128xf32, #tpu.memory_space<hbm>> -> memref<512x128xf32, #tpu.memory_space<hbm>>
    %dma_start3A_142 = arith.constant 0 : i32
    %dma_start3A_143 = tpu.memref_slice %arg3[%add3A_131, %dma_start3A_142, %multiple_of3A_137] : memref<512x512x256xf32, #tpu.memory_space<hbm>> -> memref<1x512x128xf32, #tpu.memory_space<hbm>>
    %dma_start3A_144 = tpu.memref_squeeze %dma_start3A_143 : memref<1x512x128xf32, #tpu.memory_space<hbm>> -> memref<512x128xf32, #tpu.memory_space<hbm>>
    %dma_start3A_145 = arith.constant 0 : i32
    %dma_start3A_146 = tpu.memref_slice %arg4[%multiple_of3A_136, %dma_start3A_145] : memref<1016x128xf32, #tpu.memory_space<vmem>> -> memref<512x128xf32, #tpu.memory_space<vmem>>
    tpu.enqueue_dma source(%dma_start3A_146 : memref<512x128xf32, #tpu.memory_space<vmem>>) target(%dma_start3A_144 : memref<512x128xf32, #tpu.memory_space<hbm>>) target_semaphore(%arg5 : memref<!tpu.dma_semaphore, #tpu.memory_space<semaphore_mem>>)
    %add3A_147 = arith.constant 1 : i32
    %add3A_148 = arith.addi %mul3A_10, %add3A_147 : i32
    %mul3A_149 = arith.constant 8 : i32
    %mul3A_150 = arith.muli %mul3A_149, %add3A_148 : i32
    %add3A_151 = arith.addi %div3A_1, %mul3A_150 : i32
    %mul3A_152 = arith.constant 8 : i32
    %mul3A_153 = arith.muli %mul3A_152, %add3A_148 : i32
    %sub3A_154 = arith.constant 504 : i32
    %sub3A_155 = arith.subi %sub3A_154, %mul3A_153 : i32
    %multiple_of3A_156 = tpu.assume_multiple %sub3A_155, 8 : i32
    %multiple_of3A_157 = tpu.assume_multiple %mul3A_6, 128 : i32
    %dma_start3A_158 = arith.constant 0 : i32
    %dma_start3A_159 = tpu.memref_slice %arg4[%multiple_of3A_156, %dma_start3A_158] : memref<1016x128xf32, #tpu.memory_space<vmem>> -> memref<512x128xf32, #tpu.memory_space<vmem>>
    %dma_start3A_160 = arith.constant 0 : i32
    %dma_start3A_161 = tpu.memref_slice %arg3[%add3A_151, %dma_start3A_160, %multiple_of3A_157] : memref<512x512x256xf32, #tpu.memory_space<hbm>> -> memref<1x512x128xf32, #tpu.memory_space<hbm>>
    %dma_start3A_162 = tpu.memref_squeeze %dma_start3A_161 : memref<1x512x128xf32, #tpu.memory_space<hbm>> -> memref<512x128xf32, #tpu.memory_space<hbm>>
    %dma_start3A_163 = arith.constant 0 : i32
    %dma_start3A_164 = tpu.memref_slice %arg3[%add3A_151, %dma_start3A_163, %multiple_of3A_157] : memref<512x512x256xf32, #tpu.memory_space<hbm>> -> memref<1x512x128xf32, #tpu.memory_space<hbm>>
    %dma_start3A_165 = tpu.memref_squeeze %dma_start3A_164 : memref<1x512x128xf32, #tpu.memory_space<hbm>> -> memref<512x128xf32, #tpu.memory_space<hbm>>
    %dma_start3A_166 = arith.constant 0 : i32
    %dma_start3A_167 = tpu.memref_slice %arg4[%multiple_of3A_156, %dma_start3A_166] : memref<1016x128xf32, #tpu.memory_space<vmem>> -> memref<512x128xf32, #tpu.memory_space<vmem>>
    tpu.enqueue_dma source(%dma_start3A_167 : memref<512x128xf32, #tpu.memory_space<vmem>>) target(%dma_start3A_165 : memref<512x128xf32, #tpu.memory_space<hbm>>) target_semaphore(%arg5 : memref<!tpu.dma_semaphore, #tpu.memory_space<semaphore_mem>>)
    %add3A_168 = arith.constant 2 : i32
    %add3A_169 = arith.addi %mul3A_10, %add3A_168 : i32
    %mul3A_170 = arith.constant 8 : i32
    %mul3A_171 = arith.muli %mul3A_170, %add3A_169 : i32
    %add3A_172 = arith.addi %div3A_1, %mul3A_171 : i32
    %mul3A_173 = arith.constant 8 : i32
    %mul3A_174 = arith.muli %mul3A_173, %add3A_169 : i32
    %sub3A_175 = arith.constant 504 : i32
    %sub3A_176 = arith.subi %sub3A_175, %mul3A_174 : i32
    %multiple_of3A_177 = tpu.assume_multiple %sub3A_176, 8 : i32
    %multiple_of3A_178 = tpu.assume_multiple %mul3A_6, 128 : i32
    %dma_start3A_179 = arith.constant 0 : i32
    %dma_start3A_180 = tpu.memref_slice %arg4[%multiple_of3A_177, %dma_start3A_179] : memref<1016x128xf32, #tpu.memory_space<vmem>> -> memref<512x128xf32, #tpu.memory_space<vmem>>
    %dma_start3A_181 = arith.constant 0 : i32
    %dma_start3A_182 = tpu.memref_slice %arg3[%add3A_172, %dma_start3A_181, %multiple_of3A_178] : memref<512x512x256xf32, #tpu.memory_space<hbm>> -> memref<1x512x128xf32, #tpu.memory_space<hbm>>
    %dma_start3A_183 = tpu.memref_squeeze %dma_start3A_182 : memref<1x512x128xf32, #tpu.memory_space<hbm>> -> memref<512x128xf32, #tpu.memory_space<hbm>>
    %dma_start3A_184 = arith.constant 0 : i32
    %dma_start3A_185 = tpu.memref_slice %arg3[%add3A_172, %dma_start3A_184, %multiple_of3A_178] : memref<512x512x256xf32, #tpu.memory_space<hbm>> -> memref<1x512x128xf32, #tpu.memory_space<hbm>>
    %dma_start3A_186 = tpu.memref_squeeze %dma_start3A_185 : memref<1x512x128xf32, #tpu.memory_space<hbm>> -> memref<512x128xf32, #tpu.memory_space<hbm>>
    %dma_start3A_187 = arith.constant 0 : i32
    %dma_start3A_188 = tpu.memref_slice %arg4[%multiple_of3A_177, %dma_start3A_187] : memref<1016x128xf32, #tpu.memory_space<vmem>> -> memref<512x128xf32, #tpu.memory_space<vmem>>
    tpu.enqueue_dma source(%dma_start3A_188 : memref<512x128xf32, #tpu.memory_space<vmem>>) target(%dma_start3A_186 : memref<512x128xf32, #tpu.memory_space<hbm>>) target_semaphore(%arg5 : memref<!tpu.dma_semaphore, #tpu.memory_space<semaphore_mem>>)
    %add3A_189 = arith.constant 3 : i32
    %add3A_190 = arith.addi %mul3A_10, %add3A_189 : i32
    %mul3A_191 = arith.constant 8 : i32
    %mul3A_192 = arith.muli %mul3A_191, %add3A_190 : i32
    %add3A_193 = arith.addi %div3A_1, %mul3A_192 : i32
    %mul3A_194 = arith.constant 8 : i32
    %mul3A_195 = arith.muli %mul3A_194, %add3A_190 : i32
    %sub3A_196 = arith.constant 504 : i32
    %sub3A_197 = arith.subi %sub3A_196, %mul3A_195 : i32
    %multiple_of3A_198 = tpu.assume_multiple %sub3A_197, 8 : i32
    %multiple_of3A_199 = tpu.assume_multiple %mul3A_6, 128 : i32
    %dma_start3A_200 = arith.constant 0 : i32
    %dma_start3A_201 = tpu.memref_slice %arg4[%multiple_of3A_198, %dma_start3A_200] : memref<1016x128xf32, #tpu.memory_space<vmem>> -> memref<512x128xf32, #tpu.memory_space<vmem>>
    %dma_start3A_202 = arith.constant 0 : i32
    %dma_start3A_203 = tpu.memref_slice %arg3[%add3A_193, %dma_start3A_202, %multiple_of3A_199] : memref<512x512x256xf32, #tpu.memory_space<hbm>> -> memref<1x512x128xf32, #tpu.memory_space<hbm>>
    %dma_start3A_204 = tpu.memref_squeeze %dma_start3A_203 : memref<1x512x128xf32, #tpu.memory_space<hbm>> -> memref<512x128xf32, #tpu.memory_space<hbm>>
    %dma_start3A_205 = arith.constant 0 : i32
    %dma_start3A_206 = tpu.memref_slice %arg3[%add3A_193, %dma_start3A_205, %multiple_of3A_199] : memref<512x512x256xf32, #tpu.memory_space<hbm>> -> memref<1x512x128xf32, #tpu.memory_space<hbm>>
    %dma_start3A_207 = tpu.memref_squeeze %dma_start3A_206 : memref<1x512x128xf32, #tpu.memory_space<hbm>> -> memref<512x128xf32, #tpu.memory_space<hbm>>
    %dma_start3A_208 = arith.constant 0 : i32
    %dma_start3A_209 = tpu.memref_slice %arg4[%multiple_of3A_198, %dma_start3A_208] : memref<1016x128xf32, #tpu.memory_space<vmem>> -> memref<512x128xf32, #tpu.memory_space<vmem>>
    tpu.enqueue_dma source(%dma_start3A_209 : memref<512x128xf32, #tpu.memory_space<vmem>>) target(%dma_start3A_207 : memref<512x128xf32, #tpu.memory_space<hbm>>) target_semaphore(%arg5 : memref<!tpu.dma_semaphore, #tpu.memory_space<semaphore_mem>>)
    %add3A_210 = arith.constant 4 : i32
    %add3A_211 = arith.addi %mul3A_10, %add3A_210 : i32
    %mul3A_212 = arith.constant 8 : i32
    %mul3A_213 = arith.muli %mul3A_212, %add3A_211 : i32
    %add3A_214 = arith.addi %div3A_1, %mul3A_213 : i32
    %mul3A_215 = arith.constant 8 : i32
    %mul3A_216 = arith.muli %mul3A_215, %add3A_211 : i32
    %sub3A_217 = arith.constant 504 : i32
    %sub3A_218 = arith.subi %sub3A_217, %mul3A_216 : i32
    %multiple_of3A_219 = tpu.assume_multiple %sub3A_218, 8 : i32
    %multiple_of3A_220 = tpu.assume_multiple %mul3A_6, 128 : i32
    %dma_start3A_221 = arith.constant 0 : i32
    %dma_start3A_222 = tpu.memref_slice %arg4[%multiple_of3A_219, %dma_start3A_221] : memref<1016x128xf32, #tpu.memory_space<vmem>> -> memref<512x128xf32, #tpu.memory_space<vmem>>
    %dma_start3A_223 = arith.constant 0 : i32
    %dma_start3A_224 = tpu.memref_slice %arg3[%add3A_214, %dma_start3A_223, %multiple_of3A_220] : memref<512x512x256xf32, #tpu.memory_space<hbm>> -> memref<1x512x128xf32, #tpu.memory_space<hbm>>
    %dma_start3A_225 = tpu.memref_squeeze %dma_start3A_224 : memref<1x512x128xf32, #tpu.memory_space<hbm>> -> memref<512x128xf32, #tpu.memory_space<hbm>>
    %dma_start3A_226 = arith.constant 0 : i32
    %dma_start3A_227 = tpu.memref_slice %arg3[%add3A_214, %dma_start3A_226, %multiple_of3A_220] : memref<512x512x256xf32, #tpu.memory_space<hbm>> -> memref<1x512x128xf32, #tpu.memory_space<hbm>>
    %dma_start3A_228 = tpu.memref_squeeze %dma_start3A_227 : memref<1x512x128xf32, #tpu.memory_space<hbm>> -> memref<512x128xf32, #tpu.memory_space<hbm>>
    %dma_start3A_229 = arith.constant 0 : i32
    %dma_start3A_230 = tpu.memref_slice %arg4[%multiple_of3A_219, %dma_start3A_229] : memref<1016x128xf32, #tpu.memory_space<vmem>> -> memref<512x128xf32, #tpu.memory_space<vmem>>
    tpu.enqueue_dma source(%dma_start3A_230 : memref<512x128xf32, #tpu.memory_space<vmem>>) target(%dma_start3A_228 : memref<512x128xf32, #tpu.memory_space<hbm>>) target_semaphore(%arg5 : memref<!tpu.dma_semaphore, #tpu.memory_space<semaphore_mem>>)
    %add3A_231 = arith.constant 5 : i32
    %add3A_232 = arith.addi %mul3A_10, %add3A_231 : i32
    %mul3A_233 = arith.constant 8 : i32
    %mul3A_234 = arith.muli %mul3A_233, %add3A_232 : i32
    %add3A_235 = arith.addi %div3A_1, %mul3A_234 : i32
    %mul3A_236 = arith.constant 8 : i32
    %mul3A_237 = arith.muli %mul3A_236, %add3A_232 : i32
    %sub3A_238 = arith.constant 504 : i32
    %sub3A_239 = arith.subi %sub3A_238, %mul3A_237 : i32
    %multiple_of3A_240 = tpu.assume_multiple %sub3A_239, 8 : i32
    %multiple_of3A_241 = tpu.assume_multiple %mul3A_6, 128 : i32
    %dma_start3A_242 = arith.constant 0 : i32
    %dma_start3A_243 = tpu.memref_slice %arg4[%multiple_of3A_240, %dma_start3A_242] : memref<1016x128xf32, #tpu.memory_space<vmem>> -> memref<512x128xf32, #tpu.memory_space<vmem>>
    %dma_start3A_244 = arith.constant 0 : i32
    %dma_start3A_245 = tpu.memref_slice %arg3[%add3A_235, %dma_start3A_244, %multiple_of3A_241] : memref<512x512x256xf32, #tpu.memory_space<hbm>> -> memref<1x512x128xf32, #tpu.memory_space<hbm>>
    %dma_start3A_246 = tpu.memref_squeeze %dma_start3A_245 : memref<1x512x128xf32, #tpu.memory_space<hbm>> -> memref<512x128xf32, #tpu.memory_space<hbm>>
    %dma_start3A_247 = arith.constant 0 : i32
    %dma_start3A_248 = tpu.memref_slice %arg3[%add3A_235, %dma_start3A_247, %multiple_of3A_241] : memref<512x512x256xf32, #tpu.memory_space<hbm>> -> memref<1x512x128xf32, #tpu.memory_space<hbm>>
    %dma_start3A_249 = tpu.memref_squeeze %dma_start3A_248 : memref<1x512x128xf32, #tpu.memory_space<hbm>> -> memref<512x128xf32, #tpu.memory_space<hbm>>
    %dma_start3A_250 = arith.constant 0 : i32
    %dma_start3A_251 = tpu.memref_slice %arg4[%multiple_of3A_240, %dma_start3A_250] : memref<1016x128xf32, #tpu.memory_space<vmem>> -> memref<512x128xf32, #tpu.memory_space<vmem>>
    tpu.enqueue_dma source(%dma_start3A_251 : memref<512x128xf32, #tpu.memory_space<vmem>>) target(%dma_start3A_249 : memref<512x128xf32, #tpu.memory_space<hbm>>) target_semaphore(%arg5 : memref<!tpu.dma_semaphore, #tpu.memory_space<semaphore_mem>>)
    %add3A_252 = arith.constant 6 : i32
    %add3A_253 = arith.addi %mul3A_10, %add3A_252 : i32
    %mul3A_254 = arith.constant 8 : i32
    %mul3A_255 = arith.muli %mul3A_254, %add3A_253 : i32
    %add3A_256 = arith.addi %div3A_1, %mul3A_255 : i32
    %mul3A_257 = arith.constant 8 : i32
    %mul3A_258 = arith.muli %mul3A_257, %add3A_253 : i32
    %sub3A_259 = arith.constant 504 : i32
    %sub3A_260 = arith.subi %sub3A_259, %mul3A_258 : i32
    %multiple_of3A_261 = tpu.assume_multiple %sub3A_260, 8 : i32
    %multiple_of3A_262 = tpu.assume_multiple %mul3A_6, 128 : i32
    %dma_start3A_263 = arith.constant 0 : i32
    %dma_start3A_264 = tpu.memref_slice %arg4[%multiple_of3A_261, %dma_start3A_263] : memref<1016x128xf32, #tpu.memory_space<vmem>> -> memref<512x128xf32, #tpu.memory_space<vmem>>
    %dma_start3A_265 = arith.constant 0 : i32
    %dma_start3A_266 = tpu.memref_slice %arg3[%add3A_256, %dma_start3A_265, %multiple_of3A_262] : memref<512x512x256xf32, #tpu.memory_space<hbm>> -> memref<1x512x128xf32, #tpu.memory_space<hbm>>
    %dma_start3A_267 = tpu.memref_squeeze %dma_start3A_266 : memref<1x512x128xf32, #tpu.memory_space<hbm>> -> memref<512x128xf32, #tpu.memory_space<hbm>>
    %dma_start3A_268 = arith.constant 0 : i32
    %dma_start3A_269 = tpu.memref_slice %arg3[%add3A_256, %dma_start3A_268, %multiple_of3A_262] : memref<512x512x256xf32, #tpu.memory_space<hbm>> -> memref<1x512x128xf32, #tpu.memory_space<hbm>>
    %dma_start3A_270 = tpu.memref_squeeze %dma_start3A_269 : memref<1x512x128xf32, #tpu.memory_space<hbm>> -> memref<512x128xf32, #tpu.memory_space<hbm>>
    %dma_start3A_271 = arith.constant 0 : i32
    %dma_start3A_272 = tpu.memref_slice %arg4[%multiple_of3A_261, %dma_start3A_271] : memref<1016x128xf32, #tpu.memory_space<vmem>> -> memref<512x128xf32, #tpu.memory_space<vmem>>
    tpu.enqueue_dma source(%dma_start3A_272 : memref<512x128xf32, #tpu.memory_space<vmem>>) target(%dma_start3A_270 : memref<512x128xf32, #tpu.memory_space<hbm>>) target_semaphore(%arg5 : memref<!tpu.dma_semaphore, #tpu.memory_space<semaphore_mem>>)
    %add3A_273 = arith.constant 7 : i32
    %add3A_274 = arith.addi %mul3A_10, %add3A_273 : i32
    %mul3A_275 = arith.constant 8 : i32
    %mul3A_276 = arith.muli %mul3A_275, %add3A_274 : i32
    %add3A_277 = arith.addi %div3A_1, %mul3A_276 : i32
    %mul3A_278 = arith.constant 8 : i32
    %mul3A_279 = arith.muli %mul3A_278, %add3A_274 : i32
    %sub3A_280 = arith.constant 504 : i32
    %sub3A_281 = arith.subi %sub3A_280, %mul3A_279 : i32
    %multiple_of3A_282 = tpu.assume_multiple %sub3A_281, 8 : i32
    %multiple_of3A_283 = tpu.assume_multiple %mul3A_6, 128 : i32
    %dma_start3A_284 = arith.constant 0 : i32
    %dma_start3A_285 = tpu.memref_slice %arg4[%multiple_of3A_282, %dma_start3A_284] : memref<1016x128xf32, #tpu.memory_space<vmem>> -> memref<512x128xf32, #tpu.memory_space<vmem>>
    %dma_start3A_286 = arith.constant 0 : i32
    %dma_start3A_287 = tpu.memref_slice %arg3[%add3A_277, %dma_start3A_286, %multiple_of3A_283] : memref<512x512x256xf32, #tpu.memory_space<hbm>> -> memref<1x512x128xf32, #tpu.memory_space<hbm>>
    %dma_start3A_288 = tpu.memref_squeeze %dma_start3A_287 : memref<1x512x128xf32, #tpu.memory_space<hbm>> -> memref<512x128xf32, #tpu.memory_space<hbm>>
    %dma_start3A_289 = arith.constant 0 : i32
    %dma_start3A_290 = tpu.memref_slice %arg3[%add3A_277, %dma_start3A_289, %multiple_of3A_283] : memref<512x512x256xf32, #tpu.memory_space<hbm>> -> memref<1x512x128xf32, #tpu.memory_space<hbm>>
    %dma_start3A_291 = tpu.memref_squeeze %dma_start3A_290 : memref<1x512x128xf32, #tpu.memory_space<hbm>> -> memref<512x128xf32, #tpu.memory_space<hbm>>
    %dma_start3A_292 = arith.constant 0 : i32
    %dma_start3A_293 = tpu.memref_slice %arg4[%multiple_of3A_282, %dma_start3A_292] : memref<1016x128xf32, #tpu.memory_space<vmem>> -> memref<512x128xf32, #tpu.memory_space<vmem>>
    tpu.enqueue_dma source(%dma_start3A_293 : memref<512x128xf32, #tpu.memory_space<vmem>>) target(%dma_start3A_291 : memref<512x128xf32, #tpu.memory_space<hbm>>) target_semaphore(%arg5 : memref<!tpu.dma_semaphore, #tpu.memory_space<semaphore_mem>>)
    %add3A_294 = arith.constant 8 : i32
    %add3A_295 = arith.addi %mul3A_10, %add3A_294 : i32
    %mul3A_296 = arith.constant 8 : i32
    %mul3A_297 = arith.muli %mul3A_296, %add3A_295 : i32
    %add3A_298 = arith.addi %div3A_1, %mul3A_297 : i32
    %mul3A_299 = arith.constant 8 : i32
    %mul3A_300 = arith.muli %mul3A_299, %add3A_295 : i32
    %sub3A_301 = arith.constant 504 : i32
    %sub3A_302 = arith.subi %sub3A_301, %mul3A_300 : i32
    %multiple_of3A_303 = tpu.assume_multiple %sub3A_302, 8 : i32
    %multiple_of3A_304 = tpu.assume_multiple %mul3A_6, 128 : i32
    %dma_start3A_305 = arith.constant 0 : i32
    %dma_start3A_306 = tpu.memref_slice %arg4[%multiple_of3A_303, %dma_start3A_305] : memref<1016x128xf32, #tpu.memory_space<vmem>> -> memref<512x128xf32, #tpu.memory_space<vmem>>
    %dma_start3A_307 = arith.constant 0 : i32
    %dma_start3A_308 = tpu.memref_slice %arg3[%add3A_298, %dma_start3A_307, %multiple_of3A_304] : memref<512x512x256xf32, #tpu.memory_space<hbm>> -> memref<1x512x128xf32, #tpu.memory_space<hbm>>
    %dma_start3A_309 = tpu.memref_squeeze %dma_start3A_308 : memref<1x512x128xf32, #tpu.memory_space<hbm>> -> memref<512x128xf32, #tpu.memory_space<hbm>>
    %dma_start3A_310 = arith.constant 0 : i32
    %dma_start3A_311 = tpu.memref_slice %arg3[%add3A_298, %dma_start3A_310, %multiple_of3A_304] : memref<512x512x256xf32, #tpu.memory_space<hbm>> -> memref<1x512x128xf32, #tpu.memory_space<hbm>>
    %dma_start3A_312 = tpu.memref_squeeze %dma_start3A_311 : memref<1x512x128xf32, #tpu.memory_space<hbm>> -> memref<512x128xf32, #tpu.memory_space<hbm>>
    %dma_start3A_313 = arith.constant 0 : i32
    %dma_start3A_314 = tpu.memref_slice %arg4[%multiple_of3A_303, %dma_start3A_313] : memref<1016x128xf32, #tpu.memory_space<vmem>> -> memref<512x128xf32, #tpu.memory_space<vmem>>
    tpu.enqueue_dma source(%dma_start3A_314 : memref<512x128xf32, #tpu.memory_space<vmem>>) target(%dma_start3A_312 : memref<512x128xf32, #tpu.memory_space<hbm>>) target_semaphore(%arg5 : memref<!tpu.dma_semaphore, #tpu.memory_space<semaphore_mem>>)
    %add3A_315 = arith.constant 9 : i32
    %add3A_316 = arith.addi %mul3A_10, %add3A_315 : i32
    %mul3A_317 = arith.constant 8 : i32
    %mul3A_318 = arith.muli %mul3A_317, %add3A_316 : i32
    %add3A_319 = arith.addi %div3A_1, %mul3A_318 : i32
    %mul3A_320 = arith.constant 8 : i32
    %mul3A_321 = arith.muli %mul3A_320, %add3A_316 : i32
    %sub3A_322 = arith.constant 504 : i32
    %sub3A_323 = arith.subi %sub3A_322, %mul3A_321 : i32
    %multiple_of3A_324 = tpu.assume_multiple %sub3A_323, 8 : i32
    %multiple_of3A_325 = tpu.assume_multiple %mul3A_6, 128 : i32
    %dma_start3A_326 = arith.constant 0 : i32
    %dma_start3A_327 = tpu.memref_slice %arg4[%multiple_of3A_324, %dma_start3A_326] : memref<1016x128xf32, #tpu.memory_space<vmem>> -> memref<512x128xf32, #tpu.memory_space<vmem>>
    %dma_start3A_328 = arith.constant 0 : i32
    %dma_start3A_329 = tpu.memref_slice %arg3[%add3A_319, %dma_start3A_328, %multiple_of3A_325] : memref<512x512x256xf32, #tpu.memory_space<hbm>> -> memref<1x512x128xf32, #tpu.memory_space<hbm>>
    %dma_start3A_330 = tpu.memref_squeeze %dma_start3A_329 : memref<1x512x128xf32, #tpu.memory_space<hbm>> -> memref<512x128xf32, #tpu.memory_space<hbm>>
    %dma_start3A_331 = arith.constant 0 : i32
    %dma_start3A_332 = tpu.memref_slice %arg3[%add3A_319, %dma_start3A_331, %multiple_of3A_325] : memref<512x512x256xf32, #tpu.memory_space<hbm>> -> memref<1x512x128xf32, #tpu.memory_space<hbm>>
    %dma_start3A_333 = tpu.memref_squeeze %dma_start3A_332 : memref<1x512x128xf32, #tpu.memory_space<hbm>> -> memref<512x128xf32, #tpu.memory_space<hbm>>
    %dma_start3A_334 = arith.constant 0 : i32
    %dma_start3A_335 = tpu.memref_slice %arg4[%multiple_of3A_324, %dma_start3A_334] : memref<1016x128xf32, #tpu.memory_space<vmem>> -> memref<512x128xf32, #tpu.memory_space<vmem>>
    tpu.enqueue_dma source(%dma_start3A_335 : memref<512x128xf32, #tpu.memory_space<vmem>>) target(%dma_start3A_333 : memref<512x128xf32, #tpu.memory_space<hbm>>) target_semaphore(%arg5 : memref<!tpu.dma_semaphore, #tpu.memory_space<semaphore_mem>>)
    %add3A_336 = arith.constant 10 : i32
    %add3A_337 = arith.addi %mul3A_10, %add3A_336 : i32
    %mul3A_338 = arith.constant 8 : i32
    %mul3A_339 = arith.muli %mul3A_338, %add3A_337 : i32
    %add3A_340 = arith.addi %div3A_1, %mul3A_339 : i32
    %mul3A_341 = arith.constant 8 : i32
    %mul3A_342 = arith.muli %mul3A_341, %add3A_337 : i32
    %sub3A_343 = arith.constant 504 : i32
    %sub3A_344 = arith.subi %sub3A_343, %mul3A_342 : i32
    %multiple_of3A_345 = tpu.assume_multiple %sub3A_344, 8 : i32
    %multiple_of3A_346 = tpu.assume_multiple %mul3A_6, 128 : i32
    %dma_start3A_347 = arith.constant 0 : i32
    %dma_start3A_348 = tpu.memref_slice %arg4[%multiple_of3A_345, %dma_start3A_347] : memref<1016x128xf32, #tpu.memory_space<vmem>> -> memref<512x128xf32, #tpu.memory_space<vmem>>
    %dma_start3A_349 = arith.constant 0 : i32
    %dma_start3A_350 = tpu.memref_slice %arg3[%add3A_340, %dma_start3A_349, %multiple_of3A_346] : memref<512x512x256xf32, #tpu.memory_space<hbm>> -> memref<1x512x128xf32, #tpu.memory_space<hbm>>
    %dma_start3A_351 = tpu.memref_squeeze %dma_start3A_350 : memref<1x512x128xf32, #tpu.memory_space<hbm>> -> memref<512x128xf32, #tpu.memory_space<hbm>>
    %dma_start3A_352 = arith.constant 0 : i32
    %dma_start3A_353 = tpu.memref_slice %arg3[%add3A_340, %dma_start3A_352, %multiple_of3A_346] : memref<512x512x256xf32, #tpu.memory_space<hbm>> -> memref<1x512x128xf32, #tpu.memory_space<hbm>>
    %dma_start3A_354 = tpu.memref_squeeze %dma_start3A_353 : memref<1x512x128xf32, #tpu.memory_space<hbm>> -> memref<512x128xf32, #tpu.memory_space<hbm>>
    %dma_start3A_355 = arith.constant 0 : i32
    %dma_start3A_356 = tpu.memref_slice %arg4[%multiple_of3A_345, %dma_start3A_355] : memref<1016x128xf32, #tpu.memory_space<vmem>> -> memref<512x128xf32, #tpu.memory_space<vmem>>
    tpu.enqueue_dma source(%dma_start3A_356 : memref<512x128xf32, #tpu.memory_space<vmem>>) target(%dma_start3A_354 : memref<512x128xf32, #tpu.memory_space<hbm>>) target_semaphore(%arg5 : memref<!tpu.dma_semaphore, #tpu.memory_space<semaphore_mem>>)
    %add3A_357 = arith.constant 11 : i32
    %add3A_358 = arith.addi %mul3A_10, %add3A_357 : i32
    %mul3A_359 = arith.constant 8 : i32
    %mul3A_360 = arith.muli %mul3A_359, %add3A_358 : i32
    %add3A_361 = arith.addi %div3A_1, %mul3A_360 : i32
    %mul3A_362 = arith.constant 8 : i32
    %mul3A_363 = arith.muli %mul3A_362, %add3A_358 : i32
    %sub3A_364 = arith.constant 504 : i32
    %sub3A_365 = arith.subi %sub3A_364, %mul3A_363 : i32
    %multiple_of3A_366 = tpu.assume_multiple %sub3A_365, 8 : i32
    %multiple_of3A_367 = tpu.assume_multiple %mul3A_6, 128 : i32
    %dma_start3A_368 = arith.constant 0 : i32
    %dma_start3A_369 = tpu.memref_slice %arg4[%multiple_of3A_366, %dma_start3A_368] : memref<1016x128xf32, #tpu.memory_space<vmem>> -> memref<512x128xf32, #tpu.memory_space<vmem>>
    %dma_start3A_370 = arith.constant 0 : i32
    %dma_start3A_371 = tpu.memref_slice %arg3[%add3A_361, %dma_start3A_370, %multiple_of3A_367] : memref<512x512x256xf32, #tpu.memory_space<hbm>> -> memref<1x512x128xf32, #tpu.memory_space<hbm>>
    %dma_start3A_372 = tpu.memref_squeeze %dma_start3A_371 : memref<1x512x128xf32, #tpu.memory_space<hbm>> -> memref<512x128xf32, #tpu.memory_space<hbm>>
    %dma_start3A_373 = arith.constant 0 : i32
    %dma_start3A_374 = tpu.memref_slice %arg3[%add3A_361, %dma_start3A_373, %multiple_of3A_367] : memref<512x512x256xf32, #tpu.memory_space<hbm>> -> memref<1x512x128xf32, #tpu.memory_space<hbm>>
    %dma_start3A_375 = tpu.memref_squeeze %dma_start3A_374 : memref<1x512x128xf32, #tpu.memory_space<hbm>> -> memref<512x128xf32, #tpu.memory_space<hbm>>
    %dma_start3A_376 = arith.constant 0 : i32
    %dma_start3A_377 = tpu.memref_slice %arg4[%multiple_of3A_366, %dma_start3A_376] : memref<1016x128xf32, #tpu.memory_space<vmem>> -> memref<512x128xf32, #tpu.memory_space<vmem>>
    tpu.enqueue_dma source(%dma_start3A_377 : memref<512x128xf32, #tpu.memory_space<vmem>>) target(%dma_start3A_375 : memref<512x128xf32, #tpu.memory_space<hbm>>) target_semaphore(%arg5 : memref<!tpu.dma_semaphore, #tpu.memory_space<semaphore_mem>>)
    %add3A_378 = arith.constant 12 : i32
    %add3A_379 = arith.addi %mul3A_10, %add3A_378 : i32
    %mul3A_380 = arith.constant 8 : i32
    %mul3A_381 = arith.muli %mul3A_380, %add3A_379 : i32
    %add3A_382 = arith.addi %div3A_1, %mul3A_381 : i32
    %mul3A_383 = arith.constant 8 : i32
    %mul3A_384 = arith.muli %mul3A_383, %add3A_379 : i32
    %sub3A_385 = arith.constant 504 : i32
    %sub3A_386 = arith.subi %sub3A_385, %mul3A_384 : i32
    %multiple_of3A_387 = tpu.assume_multiple %sub3A_386, 8 : i32
    %multiple_of3A_388 = tpu.assume_multiple %mul3A_6, 128 : i32
    %dma_start3A_389 = arith.constant 0 : i32
    %dma_start3A_390 = tpu.memref_slice %arg4[%multiple_of3A_387, %dma_start3A_389] : memref<1016x128xf32, #tpu.memory_space<vmem>> -> memref<512x128xf32, #tpu.memory_space<vmem>>
    %dma_start3A_391 = arith.constant 0 : i32
    %dma_start3A_392 = tpu.memref_slice %arg3[%add3A_382, %dma_start3A_391, %multiple_of3A_388] : memref<512x512x256xf32, #tpu.memory_space<hbm>> -> memref<1x512x128xf32, #tpu.memory_space<hbm>>
    %dma_start3A_393 = tpu.memref_squeeze %dma_start3A_392 : memref<1x512x128xf32, #tpu.memory_space<hbm>> -> memref<512x128xf32, #tpu.memory_space<hbm>>
    %dma_start3A_394 = arith.constant 0 : i32
    %dma_start3A_395 = tpu.memref_slice %arg3[%add3A_382, %dma_start3A_394, %multiple_of3A_388] : memref<512x512x256xf32, #tpu.memory_space<hbm>> -> memref<1x512x128xf32, #tpu.memory_space<hbm>>
    %dma_start3A_396 = tpu.memref_squeeze %dma_start3A_395 : memref<1x512x128xf32, #tpu.memory_space<hbm>> -> memref<512x128xf32, #tpu.memory_space<hbm>>
    %dma_start3A_397 = arith.constant 0 : i32
    %dma_start3A_398 = tpu.memref_slice %arg4[%multiple_of3A_387, %dma_start3A_397] : memref<1016x128xf32, #tpu.memory_space<vmem>> -> memref<512x128xf32, #tpu.memory_space<vmem>>
    tpu.enqueue_dma source(%dma_start3A_398 : memref<512x128xf32, #tpu.memory_space<vmem>>) target(%dma_start3A_396 : memref<512x128xf32, #tpu.memory_space<hbm>>) target_semaphore(%arg5 : memref<!tpu.dma_semaphore, #tpu.memory_space<semaphore_mem>>)
    %add3A_399 = arith.constant 13 : i32
    %add3A_400 = arith.addi %mul3A_10, %add3A_399 : i32
    %mul3A_401 = arith.constant 8 : i32
    %mul3A_402 = arith.muli %mul3A_401, %add3A_400 : i32
    %add3A_403 = arith.addi %div3A_1, %mul3A_402 : i32
    %mul3A_404 = arith.constant 8 : i32
    %mul3A_405 = arith.muli %mul3A_404, %add3A_400 : i32
    %sub3A_406 = arith.constant 504 : i32
    %sub3A_407 = arith.subi %sub3A_406, %mul3A_405 : i32
    %multiple_of3A_408 = tpu.assume_multiple %sub3A_407, 8 : i32
    %multiple_of3A_409 = tpu.assume_multiple %mul3A_6, 128 : i32
    %dma_start3A_410 = arith.constant 0 : i32
    %dma_start3A_411 = tpu.memref_slice %arg4[%multiple_of3A_408, %dma_start3A_410] : memref<1016x128xf32, #tpu.memory_space<vmem>> -> memref<512x128xf32, #tpu.memory_space<vmem>>
    %dma_start3A_412 = arith.constant 0 : i32
    %dma_start3A_413 = tpu.memref_slice %arg3[%add3A_403, %dma_start3A_412, %multiple_of3A_409] : memref<512x512x256xf32, #tpu.memory_space<hbm>> -> memref<1x512x128xf32, #tpu.memory_space<hbm>>
    %dma_start3A_414 = tpu.memref_squeeze %dma_start3A_413 : memref<1x512x128xf32, #tpu.memory_space<hbm>> -> memref<512x128xf32, #tpu.memory_space<hbm>>
    %dma_start3A_415 = arith.constant 0 : i32
    %dma_start3A_416 = tpu.memref_slice %arg3[%add3A_403, %dma_start3A_415, %multiple_of3A_409] : memref<512x512x256xf32, #tpu.memory_space<hbm>> -> memref<1x512x128xf32, #tpu.memory_space<hbm>>
    %dma_start3A_417 = tpu.memref_squeeze %dma_start3A_416 : memref<1x512x128xf32, #tpu.memory_space<hbm>> -> memref<512x128xf32, #tpu.memory_space<hbm>>
    %dma_start3A_418 = arith.constant 0 : i32
    %dma_start3A_419 = tpu.memref_slice %arg4[%multiple_of3A_408, %dma_start3A_418] : memref<1016x128xf32, #tpu.memory_space<vmem>> -> memref<512x128xf32, #tpu.memory_space<vmem>>
    tpu.enqueue_dma source(%dma_start3A_419 : memref<512x128xf32, #tpu.memory_space<vmem>>) target(%dma_start3A_417 : memref<512x128xf32, #tpu.memory_space<hbm>>) target_semaphore(%arg5 : memref<!tpu.dma_semaphore, #tpu.memory_space<semaphore_mem>>)
    %add3A_420 = arith.constant 14 : i32
    %add3A_421 = arith.addi %mul3A_10, %add3A_420 : i32
    %mul3A_422 = arith.constant 8 : i32
    %mul3A_423 = arith.muli %mul3A_422, %add3A_421 : i32
    %add3A_424 = arith.addi %div3A_1, %mul3A_423 : i32
    %mul3A_425 = arith.constant 8 : i32
    %mul3A_426 = arith.muli %mul3A_425, %add3A_421 : i32
    %sub3A_427 = arith.constant 504 : i32
    %sub3A_428 = arith.subi %sub3A_427, %mul3A_426 : i32
    %multiple_of3A_429 = tpu.assume_multiple %sub3A_428, 8 : i32
    %multiple_of3A_430 = tpu.assume_multiple %mul3A_6, 128 : i32
    %dma_start3A_431 = arith.constant 0 : i32
    %dma_start3A_432 = tpu.memref_slice %arg4[%multiple_of3A_429, %dma_start3A_431] : memref<1016x128xf32, #tpu.memory_space<vmem>> -> memref<512x128xf32, #tpu.memory_space<vmem>>
    %dma_start3A_433 = arith.constant 0 : i32
    %dma_start3A_434 = tpu.memref_slice %arg3[%add3A_424, %dma_start3A_433, %multiple_of3A_430] : memref<512x512x256xf32, #tpu.memory_space<hbm>> -> memref<1x512x128xf32, #tpu.memory_space<hbm>>
    %dma_start3A_435 = tpu.memref_squeeze %dma_start3A_434 : memref<1x512x128xf32, #tpu.memory_space<hbm>> -> memref<512x128xf32, #tpu.memory_space<hbm>>
    %dma_start3A_436 = arith.constant 0 : i32
    %dma_start3A_437 = tpu.memref_slice %arg3[%add3A_424, %dma_start3A_436, %multiple_of3A_430] : memref<512x512x256xf32, #tpu.memory_space<hbm>> -> memref<1x512x128xf32, #tpu.memory_space<hbm>>
    %dma_start3A_438 = tpu.memref_squeeze %dma_start3A_437 : memref<1x512x128xf32, #tpu.memory_space<hbm>> -> memref<512x128xf32, #tpu.memory_space<hbm>>
    %dma_start3A_439 = arith.constant 0 : i32
    %dma_start3A_440 = tpu.memref_slice %arg4[%multiple_of3A_429, %dma_start3A_439] : memref<1016x128xf32, #tpu.memory_space<vmem>> -> memref<512x128xf32, #tpu.memory_space<vmem>>
    tpu.enqueue_dma source(%dma_start3A_440 : memref<512x128xf32, #tpu.memory_space<vmem>>) target(%dma_start3A_438 : memref<512x128xf32, #tpu.memory_space<hbm>>) target_semaphore(%arg5 : memref<!tpu.dma_semaphore, #tpu.memory_space<semaphore_mem>>)
    %add3A_441 = arith.constant 15 : i32
    %add3A_442 = arith.addi %mul3A_10, %add3A_441 : i32
    %mul3A_443 = arith.constant 8 : i32
    %mul3A_444 = arith.muli %mul3A_443, %add3A_442 : i32
    %add3A_445 = arith.addi %div3A_1, %mul3A_444 : i32
    %mul3A_446 = arith.constant 8 : i32
    %mul3A_447 = arith.muli %mul3A_446, %add3A_442 : i32
    %sub3A_448 = arith.constant 504 : i32
    %sub3A_449 = arith.subi %sub3A_448, %mul3A_447 : i32
    %multiple_of3A_450 = tpu.assume_multiple %sub3A_449, 8 : i32
    %multiple_of3A_451 = tpu.assume_multiple %mul3A_6, 128 : i32
    %dma_start3A_452 = arith.constant 0 : i32
    %dma_start3A_453 = tpu.memref_slice %arg4[%multiple_of3A_450, %dma_start3A_452] : memref<1016x128xf32, #tpu.memory_space<vmem>> -> memref<512x128xf32, #tpu.memory_space<vmem>>
    %dma_start3A_454 = arith.constant 0 : i32
    %dma_start3A_455 = tpu.memref_slice %arg3[%add3A_445, %dma_start3A_454, %multiple_of3A_451] : memref<512x512x256xf32, #tpu.memory_space<hbm>> -> memref<1x512x128xf32, #tpu.memory_space<hbm>>
    %dma_start3A_456 = tpu.memref_squeeze %dma_start3A_455 : memref<1x512x128xf32, #tpu.memory_space<hbm>> -> memref<512x128xf32, #tpu.memory_space<hbm>>
    %dma_start3A_457 = arith.constant 0 : i32
    %dma_start3A_458 = tpu.memref_slice %arg3[%add3A_445, %dma_start3A_457, %multiple_of3A_451] : memref<512x512x256xf32, #tpu.memory_space<hbm>> -> memref<1x512x128xf32, #tpu.memory_space<hbm>>
    %dma_start3A_459 = tpu.memref_squeeze %dma_start3A_458 : memref<1x512x128xf32, #tpu.memory_space<hbm>> -> memref<512x128xf32, #tpu.memory_space<hbm>>
    %dma_start3A_460 = arith.constant 0 : i32
    %dma_start3A_461 = tpu.memref_slice %arg4[%multiple_of3A_450, %dma_start3A_460] : memref<1016x128xf32, #tpu.memory_space<vmem>> -> memref<512x128xf32, #tpu.memory_space<vmem>>
    tpu.enqueue_dma source(%dma_start3A_461 : memref<512x128xf32, #tpu.memory_space<vmem>>) target(%dma_start3A_459 : memref<512x128xf32, #tpu.memory_space<hbm>>) target_semaphore(%arg5 : memref<!tpu.dma_semaphore, #tpu.memory_space<semaphore_mem>>)
    %add3A_462 = arith.constant 16 : i32
    %add3A_463 = arith.addi %mul3A_10, %add3A_462 : i32
    %mul3A_464 = arith.constant 8 : i32
    %mul3A_465 = arith.muli %mul3A_464, %add3A_463 : i32
    %add3A_466 = arith.addi %div3A_1, %mul3A_465 : i32
    %mul3A_467 = arith.constant 8 : i32
    %mul3A_468 = arith.muli %mul3A_467, %add3A_463 : i32
    %sub3A_469 = arith.constant 504 : i32
    %sub3A_470 = arith.subi %sub3A_469, %mul3A_468 : i32
    %multiple_of3A_471 = tpu.assume_multiple %sub3A_470, 8 : i32
    %multiple_of3A_472 = tpu.assume_multiple %mul3A_6, 128 : i32
    %dma_start3A_473 = arith.constant 0 : i32
    %dma_start3A_474 = tpu.memref_slice %arg4[%multiple_of3A_471, %dma_start3A_473] : memref<1016x128xf32, #tpu.memory_space<vmem>> -> memref<512x128xf32, #tpu.memory_space<vmem>>
    %dma_start3A_475 = arith.constant 0 : i32
    %dma_start3A_476 = tpu.memref_slice %arg3[%add3A_466, %dma_start3A_475, %multiple_of3A_472] : memref<512x512x256xf32, #tpu.memory_space<hbm>> -> memref<1x512x128xf32, #tpu.memory_space<hbm>>
    %dma_start3A_477 = tpu.memref_squeeze %dma_start3A_476 : memref<1x512x128xf32, #tpu.memory_space<hbm>> -> memref<512x128xf32, #tpu.memory_space<hbm>>
    %dma_start3A_478 = arith.constant 0 : i32
    %dma_start3A_479 = tpu.memref_slice %arg3[%add3A_466, %dma_start3A_478, %multiple_of3A_472] : memref<512x512x256xf32, #tpu.memory_space<hbm>> -> memref<1x512x128xf32, #tpu.memory_space<hbm>>
    %dma_start3A_480 = tpu.memref_squeeze %dma_start3A_479 : memref<1x512x128xf32, #tpu.memory_space<hbm>> -> memref<512x128xf32, #tpu.memory_space<hbm>>
    %dma_start3A_481 = arith.constant 0 : i32
    %dma_start3A_482 = tpu.memref_slice %arg4[%multiple_of3A_471, %dma_start3A_481] : memref<1016x128xf32, #tpu.memory_space<vmem>> -> memref<512x128xf32, #tpu.memory_space<vmem>>
    tpu.enqueue_dma source(%dma_start3A_482 : memref<512x128xf32, #tpu.memory_space<vmem>>) target(%dma_start3A_480 : memref<512x128xf32, #tpu.memory_space<hbm>>) target_semaphore(%arg5 : memref<!tpu.dma_semaphore, #tpu.memory_space<semaphore_mem>>)
    %add3A_483 = arith.constant 17 : i32
    %add3A_484 = arith.addi %mul3A_10, %add3A_483 : i32
    %mul3A_485 = arith.constant 8 : i32
    %mul3A_486 = arith.muli %mul3A_485, %add3A_484 : i32
    %add3A_487 = arith.addi %div3A_1, %mul3A_486 : i32
    %mul3A_488 = arith.constant 8 : i32
    %mul3A_489 = arith.muli %mul3A_488, %add3A_484 : i32
    %sub3A_490 = arith.constant 504 : i32
    %sub3A_491 = arith.subi %sub3A_490, %mul3A_489 : i32
    %multiple_of3A_492 = tpu.assume_multiple %sub3A_491, 8 : i32
    %multiple_of3A_493 = tpu.assume_multiple %mul3A_6, 128 : i32
    %dma_start3A_494 = arith.constant 0 : i32
    %dma_start3A_495 = tpu.memref_slice %arg4[%multiple_of3A_492, %dma_start3A_494] : memref<1016x128xf32, #tpu.memory_space<vmem>> -> memref<512x128xf32, #tpu.memory_space<vmem>>
    %dma_start3A_496 = arith.constant 0 : i32
    %dma_start3A_497 = tpu.memref_slice %arg3[%add3A_487, %dma_start3A_496, %multiple_of3A_493] : memref<512x512x256xf32, #tpu.memory_space<hbm>> -> memref<1x512x128xf32, #tpu.memory_space<hbm>>
    %dma_start3A_498 = tpu.memref_squeeze %dma_start3A_497 : memref<1x512x128xf32, #tpu.memory_space<hbm>> -> memref<512x128xf32, #tpu.memory_space<hbm>>
    %dma_start3A_499 = arith.constant 0 : i32
    %dma_start3A_500 = tpu.memref_slice %arg3[%add3A_487, %dma_start3A_499, %multiple_of3A_493] : memref<512x512x256xf32, #tpu.memory_space<hbm>> -> memref<1x512x128xf32, #tpu.memory_space<hbm>>
    %dma_start3A_501 = tpu.memref_squeeze %dma_start3A_500 : memref<1x512x128xf32, #tpu.memory_space<hbm>> -> memref<512x128xf32, #tpu.memory_space<hbm>>
    %dma_start3A_502 = arith.constant 0 : i32
    %dma_start3A_503 = tpu.memref_slice %arg4[%multiple_of3A_492, %dma_start3A_502] : memref<1016x128xf32, #tpu.memory_space<vmem>> -> memref<512x128xf32, #tpu.memory_space<vmem>>
    tpu.enqueue_dma source(%dma_start3A_503 : memref<512x128xf32, #tpu.memory_space<vmem>>) target(%dma_start3A_501 : memref<512x128xf32, #tpu.memory_space<hbm>>) target_semaphore(%arg5 : memref<!tpu.dma_semaphore, #tpu.memory_space<semaphore_mem>>)
    %add3A_504 = arith.constant 18 : i32
    %add3A_505 = arith.addi %mul3A_10, %add3A_504 : i32
    %mul3A_506 = arith.constant 8 : i32
    %mul3A_507 = arith.muli %mul3A_506, %add3A_505 : i32
    %add3A_508 = arith.addi %div3A_1, %mul3A_507 : i32
    %mul3A_509 = arith.constant 8 : i32
    %mul3A_510 = arith.muli %mul3A_509, %add3A_505 : i32
    %sub3A_511 = arith.constant 504 : i32
    %sub3A_512 = arith.subi %sub3A_511, %mul3A_510 : i32
    %multiple_of3A_513 = tpu.assume_multiple %sub3A_512, 8 : i32
    %multiple_of3A_514 = tpu.assume_multiple %mul3A_6, 128 : i32
    %dma_start3A_515 = arith.constant 0 : i32
    %dma_start3A_516 = tpu.memref_slice %arg4[%multiple_of3A_513, %dma_start3A_515] : memref<1016x128xf32, #tpu.memory_space<vmem>> -> memref<512x128xf32, #tpu.memory_space<vmem>>
    %dma_start3A_517 = arith.constant 0 : i32
    %dma_start3A_518 = tpu.memref_slice %arg3[%add3A_508, %dma_start3A_517, %multiple_of3A_514] : memref<512x512x256xf32, #tpu.memory_space<hbm>> -> memref<1x512x128xf32, #tpu.memory_space<hbm>>
    %dma_start3A_519 = tpu.memref_squeeze %dma_start3A_518 : memref<1x512x128xf32, #tpu.memory_space<hbm>> -> memref<512x128xf32, #tpu.memory_space<hbm>>
    %dma_start3A_520 = arith.constant 0 : i32
    %dma_start3A_521 = tpu.memref_slice %arg3[%add3A_508, %dma_start3A_520, %multiple_of3A_514] : memref<512x512x256xf32, #tpu.memory_space<hbm>> -> memref<1x512x128xf32, #tpu.memory_space<hbm>>
    %dma_start3A_522 = tpu.memref_squeeze %dma_start3A_521 : memref<1x512x128xf32, #tpu.memory_space<hbm>> -> memref<512x128xf32, #tpu.memory_space<hbm>>
    %dma_start3A_523 = arith.constant 0 : i32
    %dma_start3A_524 = tpu.memref_slice %arg4[%multiple_of3A_513, %dma_start3A_523] : memref<1016x128xf32, #tpu.memory_space<vmem>> -> memref<512x128xf32, #tpu.memory_space<vmem>>
    tpu.enqueue_dma source(%dma_start3A_524 : memref<512x128xf32, #tpu.memory_space<vmem>>) target(%dma_start3A_522 : memref<512x128xf32, #tpu.memory_space<hbm>>) target_semaphore(%arg5 : memref<!tpu.dma_semaphore, #tpu.memory_space<semaphore_mem>>)
    %add3A_525 = arith.constant 19 : i32
    %add3A_526 = arith.addi %mul3A_10, %add3A_525 : i32
    %mul3A_527 = arith.constant 8 : i32
    %mul3A_528 = arith.muli %mul3A_527, %add3A_526 : i32
    %add3A_529 = arith.addi %div3A_1, %mul3A_528 : i32
    %mul3A_530 = arith.constant 8 : i32
    %mul3A_531 = arith.muli %mul3A_530, %add3A_526 : i32
    %sub3A_532 = arith.constant 504 : i32
    %sub3A_533 = arith.subi %sub3A_532, %mul3A_531 : i32
    %multiple_of3A_534 = tpu.assume_multiple %sub3A_533, 8 : i32
    %multiple_of3A_535 = tpu.assume_multiple %mul3A_6, 128 : i32
    %dma_start3A_536 = arith.constant 0 : i32
    %dma_start3A_537 = tpu.memref_slice %arg4[%multiple_of3A_534, %dma_start3A_536] : memref<1016x128xf32, #tpu.memory_space<vmem>> -> memref<512x128xf32, #tpu.memory_space<vmem>>
    %dma_start3A_538 = arith.constant 0 : i32
    %dma_start3A_539 = tpu.memref_slice %arg3[%add3A_529, %dma_start3A_538, %multiple_of3A_535] : memref<512x512x256xf32, #tpu.memory_space<hbm>> -> memref<1x512x128xf32, #tpu.memory_space<hbm>>
    %dma_start3A_540 = tpu.memref_squeeze %dma_start3A_539 : memref<1x512x128xf32, #tpu.memory_space<hbm>> -> memref<512x128xf32, #tpu.memory_space<hbm>>
    %dma_start3A_541 = arith.constant 0 : i32
    %dma_start3A_542 = tpu.memref_slice %arg3[%add3A_529, %dma_start3A_541, %multiple_of3A_535] : memref<512x512x256xf32, #tpu.memory_space<hbm>> -> memref<1x512x128xf32, #tpu.memory_space<hbm>>
    %dma_start3A_543 = tpu.memref_squeeze %dma_start3A_542 : memref<1x512x128xf32, #tpu.memory_space<hbm>> -> memref<512x128xf32, #tpu.memory_space<hbm>>
    %dma_start3A_544 = arith.constant 0 : i32
    %dma_start3A_545 = tpu.memref_slice %arg4[%multiple_of3A_534, %dma_start3A_544] : memref<1016x128xf32, #tpu.memory_space<vmem>> -> memref<512x128xf32, #tpu.memory_space<vmem>>
    tpu.enqueue_dma source(%dma_start3A_545 : memref<512x128xf32, #tpu.memory_space<vmem>>) target(%dma_start3A_543 : memref<512x128xf32, #tpu.memory_space<hbm>>) target_semaphore(%arg5 : memref<!tpu.dma_semaphore, #tpu.memory_space<semaphore_mem>>)
    %add3A_546 = arith.constant 20 : i32
    %add3A_547 = arith.addi %mul3A_10, %add3A_546 : i32
    %mul3A_548 = arith.constant 8 : i32
    %mul3A_549 = arith.muli %mul3A_548, %add3A_547 : i32
    %add3A_550 = arith.addi %div3A_1, %mul3A_549 : i32
    %mul3A_551 = arith.constant 8 : i32
    %mul3A_552 = arith.muli %mul3A_551, %add3A_547 : i32
    %sub3A_553 = arith.constant 504 : i32
    %sub3A_554 = arith.subi %sub3A_553, %mul3A_552 : i32
    %multiple_of3A_555 = tpu.assume_multiple %sub3A_554, 8 : i32
    %multiple_of3A_556 = tpu.assume_multiple %mul3A_6, 128 : i32
    %dma_start3A_557 = arith.constant 0 : i32
    %dma_start3A_558 = tpu.memref_slice %arg4[%multiple_of3A_555, %dma_start3A_557] : memref<1016x128xf32, #tpu.memory_space<vmem>> -> memref<512x128xf32, #tpu.memory_space<vmem>>
    %dma_start3A_559 = arith.constant 0 : i32
    %dma_start3A_560 = tpu.memref_slice %arg3[%add3A_550, %dma_start3A_559, %multiple_of3A_556] : memref<512x512x256xf32, #tpu.memory_space<hbm>> -> memref<1x512x128xf32, #tpu.memory_space<hbm>>
    %dma_start3A_561 = tpu.memref_squeeze %dma_start3A_560 : memref<1x512x128xf32, #tpu.memory_space<hbm>> -> memref<512x128xf32, #tpu.memory_space<hbm>>
    %dma_start3A_562 = arith.constant 0 : i32
    %dma_start3A_563 = tpu.memref_slice %arg3[%add3A_550, %dma_start3A_562, %multiple_of3A_556] : memref<512x512x256xf32, #tpu.memory_space<hbm>> -> memref<1x512x128xf32, #tpu.memory_space<hbm>>
    %dma_start3A_564 = tpu.memref_squeeze %dma_start3A_563 : memref<1x512x128xf32, #tpu.memory_space<hbm>> -> memref<512x128xf32, #tpu.memory_space<hbm>>
    %dma_start3A_565 = arith.constant 0 : i32
    %dma_start3A_566 = tpu.memref_slice %arg4[%multiple_of3A_555, %dma_start3A_565] : memref<1016x128xf32, #tpu.memory_space<vmem>> -> memref<512x128xf32, #tpu.memory_space<vmem>>
    tpu.enqueue_dma source(%dma_start3A_566 : memref<512x128xf32, #tpu.memory_space<vmem>>) target(%dma_start3A_564 : memref<512x128xf32, #tpu.memory_space<hbm>>) target_semaphore(%arg5 : memref<!tpu.dma_semaphore, #tpu.memory_space<semaphore_mem>>)
    %add3A_567 = arith.constant 21 : i32
    %add3A_568 = arith.addi %mul3A_10, %add3A_567 : i32
    %mul3A_569 = arith.constant 8 : i32
    %mul3A_570 = arith.muli %mul3A_569, %add3A_568 : i32
    %add3A_571 = arith.addi %div3A_1, %mul3A_570 : i32
    %mul3A_572 = arith.constant 8 : i32
    %mul3A_573 = arith.muli %mul3A_572, %add3A_568 : i32
    %sub3A_574 = arith.constant 504 : i32
    %sub3A_575 = arith.subi %sub3A_574, %mul3A_573 : i32
    %multiple_of3A_576 = tpu.assume_multiple %sub3A_575, 8 : i32
    %multiple_of3A_577 = tpu.assume_multiple %mul3A_6, 128 : i32
    %dma_start3A_578 = arith.constant 0 : i32
    %dma_start3A_579 = tpu.memref_slice %arg4[%multiple_of3A_576, %dma_start3A_578] : memref<1016x128xf32, #tpu.memory_space<vmem>> -> memref<512x128xf32, #tpu.memory_space<vmem>>
    %dma_start3A_580 = arith.constant 0 : i32
    %dma_start3A_581 = tpu.memref_slice %arg3[%add3A_571, %dma_start3A_580, %multiple_of3A_577] : memref<512x512x256xf32, #tpu.memory_space<hbm>> -> memref<1x512x128xf32, #tpu.memory_space<hbm>>
    %dma_start3A_582 = tpu.memref_squeeze %dma_start3A_581 : memref<1x512x128xf32, #tpu.memory_space<hbm>> -> memref<512x128xf32, #tpu.memory_space<hbm>>
    %dma_start3A_583 = arith.constant 0 : i32
    %dma_start3A_584 = tpu.memref_slice %arg3[%add3A_571, %dma_start3A_583, %multiple_of3A_577] : memref<512x512x256xf32, #tpu.memory_space<hbm>> -> memref<1x512x128xf32, #tpu.memory_space<hbm>>
    %dma_start3A_585 = tpu.memref_squeeze %dma_start3A_584 : memref<1x512x128xf32, #tpu.memory_space<hbm>> -> memref<512x128xf32, #tpu.memory_space<hbm>>
    %dma_start3A_586 = arith.constant 0 : i32
    %dma_start3A_587 = tpu.memref_slice %arg4[%multiple_of3A_576, %dma_start3A_586] : memref<1016x128xf32, #tpu.memory_space<vmem>> -> memref<512x128xf32, #tpu.memory_space<vmem>>
    tpu.enqueue_dma source(%dma_start3A_587 : memref<512x128xf32, #tpu.memory_space<vmem>>) target(%dma_start3A_585 : memref<512x128xf32, #tpu.memory_space<hbm>>) target_semaphore(%arg5 : memref<!tpu.dma_semaphore, #tpu.memory_space<semaphore_mem>>)
    %add3A_588 = arith.constant 22 : i32
    %add3A_589 = arith.addi %mul3A_10, %add3A_588 : i32
    %mul3A_590 = arith.constant 8 : i32
    %mul3A_591 = arith.muli %mul3A_590, %add3A_589 : i32
    %add3A_592 = arith.addi %div3A_1, %mul3A_591 : i32
    %mul3A_593 = arith.constant 8 : i32
    %mul3A_594 = arith.muli %mul3A_593, %add3A_589 : i32
    %sub3A_595 = arith.constant 504 : i32
    %sub3A_596 = arith.subi %sub3A_595, %mul3A_594 : i32
    %multiple_of3A_597 = tpu.assume_multiple %sub3A_596, 8 : i32
    %multiple_of3A_598 = tpu.assume_multiple %mul3A_6, 128 : i32
    %dma_start3A_599 = arith.constant 0 : i32
    %dma_start3A_600 = tpu.memref_slice %arg4[%multiple_of3A_597, %dma_start3A_599] : memref<1016x128xf32, #tpu.memory_space<vmem>> -> memref<512x128xf32, #tpu.memory_space<vmem>>
    %dma_start3A_601 = arith.constant 0 : i32
    %dma_start3A_602 = tpu.memref_slice %arg3[%add3A_592, %dma_start3A_601, %multiple_of3A_598] : memref<512x512x256xf32, #tpu.memory_space<hbm>> -> memref<1x512x128xf32, #tpu.memory_space<hbm>>
    %dma_start3A_603 = tpu.memref_squeeze %dma_start3A_602 : memref<1x512x128xf32, #tpu.memory_space<hbm>> -> memref<512x128xf32, #tpu.memory_space<hbm>>
    %dma_start3A_604 = arith.constant 0 : i32
    %dma_start3A_605 = tpu.memref_slice %arg3[%add3A_592, %dma_start3A_604, %multiple_of3A_598] : memref<512x512x256xf32, #tpu.memory_space<hbm>> -> memref<1x512x128xf32, #tpu.memory_space<hbm>>
    %dma_start3A_606 = tpu.memref_squeeze %dma_start3A_605 : memref<1x512x128xf32, #tpu.memory_space<hbm>> -> memref<512x128xf32, #tpu.memory_space<hbm>>
    %dma_start3A_607 = arith.constant 0 : i32
    %dma_start3A_608 = tpu.memref_slice %arg4[%multiple_of3A_597, %dma_start3A_607] : memref<1016x128xf32, #tpu.memory_space<vmem>> -> memref<512x128xf32, #tpu.memory_space<vmem>>
    tpu.enqueue_dma source(%dma_start3A_608 : memref<512x128xf32, #tpu.memory_space<vmem>>) target(%dma_start3A_606 : memref<512x128xf32, #tpu.memory_space<hbm>>) target_semaphore(%arg5 : memref<!tpu.dma_semaphore, #tpu.memory_space<semaphore_mem>>)
    %add3A_609 = arith.constant 23 : i32
    %add3A_610 = arith.addi %mul3A_10, %add3A_609 : i32
    %mul3A_611 = arith.constant 8 : i32
    %mul3A_612 = arith.muli %mul3A_611, %add3A_610 : i32
    %add3A_613 = arith.addi %div3A_1, %mul3A_612 : i32
    %mul3A_614 = arith.constant 8 : i32
    %mul3A_615 = arith.muli %mul3A_614, %add3A_610 : i32
    %sub3A_616 = arith.constant 504 : i32
    %sub3A_617 = arith.subi %sub3A_616, %mul3A_615 : i32
    %multiple_of3A_618 = tpu.assume_multiple %sub3A_617, 8 : i32
    %multiple_of3A_619 = tpu.assume_multiple %mul3A_6, 128 : i32
    %dma_start3A_620 = arith.constant 0 : i32
    %dma_start3A_621 = tpu.memref_slice %arg4[%multiple_of3A_618, %dma_start3A_620] : memref<1016x128xf32, #tpu.memory_space<vmem>> -> memref<512x128xf32, #tpu.memory_space<vmem>>
    %dma_start3A_622 = arith.constant 0 : i32
    %dma_start3A_623 = tpu.memref_slice %arg3[%add3A_613, %dma_start3A_622, %multiple_of3A_619] : memref<512x512x256xf32, #tpu.memory_space<hbm>> -> memref<1x512x128xf32, #tpu.memory_space<hbm>>
    %dma_start3A_624 = tpu.memref_squeeze %dma_start3A_623 : memref<1x512x128xf32, #tpu.memory_space<hbm>> -> memref<512x128xf32, #tpu.memory_space<hbm>>
    %dma_start3A_625 = arith.constant 0 : i32
    %dma_start3A_626 = tpu.memref_slice %arg3[%add3A_613, %dma_start3A_625, %multiple_of3A_619] : memref<512x512x256xf32, #tpu.memory_space<hbm>> -> memref<1x512x128xf32, #tpu.memory_space<hbm>>
    %dma_start3A_627 = tpu.memref_squeeze %dma_start3A_626 : memref<1x512x128xf32, #tpu.memory_space<hbm>> -> memref<512x128xf32, #tpu.memory_space<hbm>>
    %dma_start3A_628 = arith.constant 0 : i32
    %dma_start3A_629 = tpu.memref_slice %arg4[%multiple_of3A_618, %dma_start3A_628] : memref<1016x128xf32, #tpu.memory_space<vmem>> -> memref<512x128xf32, #tpu.memory_space<vmem>>
    tpu.enqueue_dma source(%dma_start3A_629 : memref<512x128xf32, #tpu.memory_space<vmem>>) target(%dma_start3A_627 : memref<512x128xf32, #tpu.memory_space<hbm>>) target_semaphore(%arg5 : memref<!tpu.dma_semaphore, #tpu.memory_space<semaphore_mem>>)
    %add3A_630 = arith.constant 24 : i32
    %add3A_631 = arith.addi %mul3A_10, %add3A_630 : i32
    %mul3A_632 = arith.constant 8 : i32
    %mul3A_633 = arith.muli %mul3A_632, %add3A_631 : i32
    %add3A_634 = arith.addi %div3A_1, %mul3A_633 : i32
    %mul3A_635 = arith.constant 8 : i32
    %mul3A_636 = arith.muli %mul3A_635, %add3A_631 : i32
    %sub3A_637 = arith.constant 504 : i32
    %sub3A_638 = arith.subi %sub3A_637, %mul3A_636 : i32
    %multiple_of3A_639 = tpu.assume_multiple %sub3A_638, 8 : i32
    %multiple_of3A_640 = tpu.assume_multiple %mul3A_6, 128 : i32
    %dma_start3A_641 = arith.constant 0 : i32
    %dma_start3A_642 = tpu.memref_slice %arg4[%multiple_of3A_639, %dma_start3A_641] : memref<1016x128xf32, #tpu.memory_space<vmem>> -> memref<512x128xf32, #tpu.memory_space<vmem>>
    %dma_start3A_643 = arith.constant 0 : i32
    %dma_start3A_644 = tpu.memref_slice %arg3[%add3A_634, %dma_start3A_643, %multiple_of3A_640] : memref<512x512x256xf32, #tpu.memory_space<hbm>> -> memref<1x512x128xf32, #tpu.memory_space<hbm>>
    %dma_start3A_645 = tpu.memref_squeeze %dma_start3A_644 : memref<1x512x128xf32, #tpu.memory_space<hbm>> -> memref<512x128xf32, #tpu.memory_space<hbm>>
    %dma_start3A_646 = arith.constant 0 : i32
    %dma_start3A_647 = tpu.memref_slice %arg3[%add3A_634, %dma_start3A_646, %multiple_of3A_640] : memref<512x512x256xf32, #tpu.memory_space<hbm>> -> memref<1x512x128xf32, #tpu.memory_space<hbm>>
    %dma_start3A_648 = tpu.memref_squeeze %dma_start3A_647 : memref<1x512x128xf32, #tpu.memory_space<hbm>> -> memref<512x128xf32, #tpu.memory_space<hbm>>
    %dma_start3A_649 = arith.constant 0 : i32
    %dma_start3A_650 = tpu.memref_slice %arg4[%multiple_of3A_639, %dma_start3A_649] : memref<1016x128xf32, #tpu.memory_space<vmem>> -> memref<512x128xf32, #tpu.memory_space<vmem>>
    tpu.enqueue_dma source(%dma_start3A_650 : memref<512x128xf32, #tpu.memory_space<vmem>>) target(%dma_start3A_648 : memref<512x128xf32, #tpu.memory_space<hbm>>) target_semaphore(%arg5 : memref<!tpu.dma_semaphore, #tpu.memory_space<semaphore_mem>>)
    %add3A_651 = arith.constant 25 : i32
    %add3A_652 = arith.addi %mul3A_10, %add3A_651 : i32
    %mul3A_653 = arith.constant 8 : i32
    %mul3A_654 = arith.muli %mul3A_653, %add3A_652 : i32
    %add3A_655 = arith.addi %div3A_1, %mul3A_654 : i32
    %mul3A_656 = arith.constant 8 : i32
    %mul3A_657 = arith.muli %mul3A_656, %add3A_652 : i32
    %sub3A_658 = arith.constant 504 : i32
    %sub3A_659 = arith.subi %sub3A_658, %mul3A_657 : i32
    %multiple_of3A_660 = tpu.assume_multiple %sub3A_659, 8 : i32
    %multiple_of3A_661 = tpu.assume_multiple %mul3A_6, 128 : i32
    %dma_start3A_662 = arith.constant 0 : i32
    %dma_start3A_663 = tpu.memref_slice %arg4[%multiple_of3A_660, %dma_start3A_662] : memref<1016x128xf32, #tpu.memory_space<vmem>> -> memref<512x128xf32, #tpu.memory_space<vmem>>
    %dma_start3A_664 = arith.constant 0 : i32
    %dma_start3A_665 = tpu.memref_slice %arg3[%add3A_655, %dma_start3A_664, %multiple_of3A_661] : memref<512x512x256xf32, #tpu.memory_space<hbm>> -> memref<1x512x128xf32, #tpu.memory_space<hbm>>
    %dma_start3A_666 = tpu.memref_squeeze %dma_start3A_665 : memref<1x512x128xf32, #tpu.memory_space<hbm>> -> memref<512x128xf32, #tpu.memory_space<hbm>>
    %dma_start3A_667 = arith.constant 0 : i32
    %dma_start3A_668 = tpu.memref_slice %arg3[%add3A_655, %dma_start3A_667, %multiple_of3A_661] : memref<512x512x256xf32, #tpu.memory_space<hbm>> -> memref<1x512x128xf32, #tpu.memory_space<hbm>>
    %dma_start3A_669 = tpu.memref_squeeze %dma_start3A_668 : memref<1x512x128xf32, #tpu.memory_space<hbm>> -> memref<512x128xf32, #tpu.memory_space<hbm>>
    %dma_start3A_670 = arith.constant 0 : i32
    %dma_start3A_671 = tpu.memref_slice %arg4[%multiple_of3A_660, %dma_start3A_670] : memref<1016x128xf32, #tpu.memory_space<vmem>> -> memref<512x128xf32, #tpu.memory_space<vmem>>
    tpu.enqueue_dma source(%dma_start3A_671 : memref<512x128xf32, #tpu.memory_space<vmem>>) target(%dma_start3A_669 : memref<512x128xf32, #tpu.memory_space<hbm>>) target_semaphore(%arg5 : memref<!tpu.dma_semaphore, #tpu.memory_space<semaphore_mem>>)
    %add3A_672 = arith.constant 26 : i32
    %add3A_673 = arith.addi %mul3A_10, %add3A_672 : i32
    %mul3A_674 = arith.constant 8 : i32
    %mul3A_675 = arith.muli %mul3A_674, %add3A_673 : i32
    %add3A_676 = arith.addi %div3A_1, %mul3A_675 : i32
    %mul3A_677 = arith.constant 8 : i32
    %mul3A_678 = arith.muli %mul3A_677, %add3A_673 : i32
    %sub3A_679 = arith.constant 504 : i32
    %sub3A_680 = arith.subi %sub3A_679, %mul3A_678 : i32
    %multiple_of3A_681 = tpu.assume_multiple %sub3A_680, 8 : i32
    %multiple_of3A_682 = tpu.assume_multiple %mul3A_6, 128 : i32
    %dma_start3A_683 = arith.constant 0 : i32
    %dma_start3A_684 = tpu.memref_slice %arg4[%multiple_of3A_681, %dma_start3A_683] : memref<1016x128xf32, #tpu.memory_space<vmem>> -> memref<512x128xf32, #tpu.memory_space<vmem>>
    %dma_start3A_685 = arith.constant 0 : i32
    %dma_start3A_686 = tpu.memref_slice %arg3[%add3A_676, %dma_start3A_685, %multiple_of3A_682] : memref<512x512x256xf32, #tpu.memory_space<hbm>> -> memref<1x512x128xf32, #tpu.memory_space<hbm>>
    %dma_start3A_687 = tpu.memref_squeeze %dma_start3A_686 : memref<1x512x128xf32, #tpu.memory_space<hbm>> -> memref<512x128xf32, #tpu.memory_space<hbm>>
    %dma_start3A_688 = arith.constant 0 : i32
    %dma_start3A_689 = tpu.memref_slice %arg3[%add3A_676, %dma_start3A_688, %multiple_of3A_682] : memref<512x512x256xf32, #tpu.memory_space<hbm>> -> memref<1x512x128xf32, #tpu.memory_space<hbm>>
    %dma_start3A_690 = tpu.memref_squeeze %dma_start3A_689 : memref<1x512x128xf32, #tpu.memory_space<hbm>> -> memref<512x128xf32, #tpu.memory_space<hbm>>
    %dma_start3A_691 = arith.constant 0 : i32
    %dma_start3A_692 = tpu.memref_slice %arg4[%multiple_of3A_681, %dma_start3A_691] : memref<1016x128xf32, #tpu.memory_space<vmem>> -> memref<512x128xf32, #tpu.memory_space<vmem>>
    tpu.enqueue_dma source(%dma_start3A_692 : memref<512x128xf32, #tpu.memory_space<vmem>>) target(%dma_start3A_690 : memref<512x128xf32, #tpu.memory_space<hbm>>) target_semaphore(%arg5 : memref<!tpu.dma_semaphore, #tpu.memory_space<semaphore_mem>>)
    %add3A_693 = arith.constant 27 : i32
    %add3A_694 = arith.addi %mul3A_10, %add3A_693 : i32
    %mul3A_695 = arith.constant 8 : i32
    %mul3A_696 = arith.muli %mul3A_695, %add3A_694 : i32
    %add3A_697 = arith.addi %div3A_1, %mul3A_696 : i32
    %mul3A_698 = arith.constant 8 : i32
    %mul3A_699 = arith.muli %mul3A_698, %add3A_694 : i32
    %sub3A_700 = arith.constant 504 : i32
    %sub3A_701 = arith.subi %sub3A_700, %mul3A_699 : i32
    %multiple_of3A_702 = tpu.assume_multiple %sub3A_701, 8 : i32
    %multiple_of3A_703 = tpu.assume_multiple %mul3A_6, 128 : i32
    %dma_start3A_704 = arith.constant 0 : i32
    %dma_start3A_705 = tpu.memref_slice %arg4[%multiple_of3A_702, %dma_start3A_704] : memref<1016x128xf32, #tpu.memory_space<vmem>> -> memref<512x128xf32, #tpu.memory_space<vmem>>
    %dma_start3A_706 = arith.constant 0 : i32
    %dma_start3A_707 = tpu.memref_slice %arg3[%add3A_697, %dma_start3A_706, %multiple_of3A_703] : memref<512x512x256xf32, #tpu.memory_space<hbm>> -> memref<1x512x128xf32, #tpu.memory_space<hbm>>
    %dma_start3A_708 = tpu.memref_squeeze %dma_start3A_707 : memref<1x512x128xf32, #tpu.memory_space<hbm>> -> memref<512x128xf32, #tpu.memory_space<hbm>>
    %dma_start3A_709 = arith.constant 0 : i32
    %dma_start3A_710 = tpu.memref_slice %arg3[%add3A_697, %dma_start3A_709, %multiple_of3A_703] : memref<512x512x256xf32, #tpu.memory_space<hbm>> -> memref<1x512x128xf32, #tpu.memory_space<hbm>>
    %dma_start3A_711 = tpu.memref_squeeze %dma_start3A_710 : memref<1x512x128xf32, #tpu.memory_space<hbm>> -> memref<512x128xf32, #tpu.memory_space<hbm>>
    %dma_start3A_712 = arith.constant 0 : i32
    %dma_start3A_713 = tpu.memref_slice %arg4[%multiple_of3A_702, %dma_start3A_712] : memref<1016x128xf32, #tpu.memory_space<vmem>> -> memref<512x128xf32, #tpu.memory_space<vmem>>
    tpu.enqueue_dma source(%dma_start3A_713 : memref<512x128xf32, #tpu.memory_space<vmem>>) target(%dma_start3A_711 : memref<512x128xf32, #tpu.memory_space<hbm>>) target_semaphore(%arg5 : memref<!tpu.dma_semaphore, #tpu.memory_space<semaphore_mem>>)
    %add3A_714 = arith.constant 28 : i32
    %add3A_715 = arith.addi %mul3A_10, %add3A_714 : i32
    %mul3A_716 = arith.constant 8 : i32
    %mul3A_717 = arith.muli %mul3A_716, %add3A_715 : i32
    %add3A_718 = arith.addi %div3A_1, %mul3A_717 : i32
    %mul3A_719 = arith.constant 8 : i32
    %mul3A_720 = arith.muli %mul3A_719, %add3A_715 : i32
    %sub3A_721 = arith.constant 504 : i32
    %sub3A_722 = arith.subi %sub3A_721, %mul3A_720 : i32
    %multiple_of3A_723 = tpu.assume_multiple %sub3A_722, 8 : i32
    %multiple_of3A_724 = tpu.assume_multiple %mul3A_6, 128 : i32
    %dma_start3A_725 = arith.constant 0 : i32
    %dma_start3A_726 = tpu.memref_slice %arg4[%multiple_of3A_723, %dma_start3A_725] : memref<1016x128xf32, #tpu.memory_space<vmem>> -> memref<512x128xf32, #tpu.memory_space<vmem>>
    %dma_start3A_727 = arith.constant 0 : i32
    %dma_start3A_728 = tpu.memref_slice %arg3[%add3A_718, %dma_start3A_727, %multiple_of3A_724] : memref<512x512x256xf32, #tpu.memory_space<hbm>> -> memref<1x512x128xf32, #tpu.memory_space<hbm>>
    %dma_start3A_729 = tpu.memref_squeeze %dma_start3A_728 : memref<1x512x128xf32, #tpu.memory_space<hbm>> -> memref<512x128xf32, #tpu.memory_space<hbm>>
    %dma_start3A_730 = arith.constant 0 : i32
    %dma_start3A_731 = tpu.memref_slice %arg3[%add3A_718, %dma_start3A_730, %multiple_of3A_724] : memref<512x512x256xf32, #tpu.memory_space<hbm>> -> memref<1x512x128xf32, #tpu.memory_space<hbm>>
    %dma_start3A_732 = tpu.memref_squeeze %dma_start3A_731 : memref<1x512x128xf32, #tpu.memory_space<hbm>> -> memref<512x128xf32, #tpu.memory_space<hbm>>
    %dma_start3A_733 = arith.constant 0 : i32
    %dma_start3A_734 = tpu.memref_slice %arg4[%multiple_of3A_723, %dma_start3A_733] : memref<1016x128xf32, #tpu.memory_space<vmem>> -> memref<512x128xf32, #tpu.memory_space<vmem>>
    tpu.enqueue_dma source(%dma_start3A_734 : memref<512x128xf32, #tpu.memory_space<vmem>>) target(%dma_start3A_732 : memref<512x128xf32, #tpu.memory_space<hbm>>) target_semaphore(%arg5 : memref<!tpu.dma_semaphore, #tpu.memory_space<semaphore_mem>>)
    %add3A_735 = arith.constant 29 : i32
    %add3A_736 = arith.addi %mul3A_10, %add3A_735 : i32
    %mul3A_737 = arith.constant 8 : i32
    %mul3A_738 = arith.muli %mul3A_737, %add3A_736 : i32
    %add3A_739 = arith.addi %div3A_1, %mul3A_738 : i32
    %mul3A_740 = arith.constant 8 : i32
    %mul3A_741 = arith.muli %mul3A_740, %add3A_736 : i32
    %sub3A_742 = arith.constant 504 : i32
    %sub3A_743 = arith.subi %sub3A_742, %mul3A_741 : i32
    %multiple_of3A_744 = tpu.assume_multiple %sub3A_743, 8 : i32
    %multiple_of3A_745 = tpu.assume_multiple %mul3A_6, 128 : i32
    %dma_start3A_746 = arith.constant 0 : i32
    %dma_start3A_747 = tpu.memref_slice %arg4[%multiple_of3A_744, %dma_start3A_746] : memref<1016x128xf32, #tpu.memory_space<vmem>> -> memref<512x128xf32, #tpu.memory_space<vmem>>
    %dma_start3A_748 = arith.constant 0 : i32
    %dma_start3A_749 = tpu.memref_slice %arg3[%add3A_739, %dma_start3A_748, %multiple_of3A_745] : memref<512x512x256xf32, #tpu.memory_space<hbm>> -> memref<1x512x128xf32, #tpu.memory_space<hbm>>
    %dma_start3A_750 = tpu.memref_squeeze %dma_start3A_749 : memref<1x512x128xf32, #tpu.memory_space<hbm>> -> memref<512x128xf32, #tpu.memory_space<hbm>>
    %dma_start3A_751 = arith.constant 0 : i32
    %dma_start3A_752 = tpu.memref_slice %arg3[%add3A_739, %dma_start3A_751, %multiple_of3A_745] : memref<512x512x256xf32, #tpu.memory_space<hbm>> -> memref<1x512x128xf32, #tpu.memory_space<hbm>>
    %dma_start3A_753 = tpu.memref_squeeze %dma_start3A_752 : memref<1x512x128xf32, #tpu.memory_space<hbm>> -> memref<512x128xf32, #tpu.memory_space<hbm>>
    %dma_start3A_754 = arith.constant 0 : i32
    %dma_start3A_755 = tpu.memref_slice %arg4[%multiple_of3A_744, %dma_start3A_754] : memref<1016x128xf32, #tpu.memory_space<vmem>> -> memref<512x128xf32, #tpu.memory_space<vmem>>
    tpu.enqueue_dma source(%dma_start3A_755 : memref<512x128xf32, #tpu.memory_space<vmem>>) target(%dma_start3A_753 : memref<512x128xf32, #tpu.memory_space<hbm>>) target_semaphore(%arg5 : memref<!tpu.dma_semaphore, #tpu.memory_space<semaphore_mem>>)
    %add3A_756 = arith.constant 30 : i32
    %add3A_757 = arith.addi %mul3A_10, %add3A_756 : i32
    %mul3A_758 = arith.constant 8 : i32
    %mul3A_759 = arith.muli %mul3A_758, %add3A_757 : i32
    %add3A_760 = arith.addi %div3A_1, %mul3A_759 : i32
    %mul3A_761 = arith.constant 8 : i32
    %mul3A_762 = arith.muli %mul3A_761, %add3A_757 : i32
    %sub3A_763 = arith.constant 504 : i32
    %sub3A_764 = arith.subi %sub3A_763, %mul3A_762 : i32
    %multiple_of3A_765 = tpu.assume_multiple %sub3A_764, 8 : i32
    %multiple_of3A_766 = tpu.assume_multiple %mul3A_6, 128 : i32
    %dma_start3A_767 = arith.constant 0 : i32
    %dma_start3A_768 = tpu.memref_slice %arg4[%multiple_of3A_765, %dma_start3A_767] : memref<1016x128xf32, #tpu.memory_space<vmem>> -> memref<512x128xf32, #tpu.memory_space<vmem>>
    %dma_start3A_769 = arith.constant 0 : i32
    %dma_start3A_770 = tpu.memref_slice %arg3[%add3A_760, %dma_start3A_769, %multiple_of3A_766] : memref<512x512x256xf32, #tpu.memory_space<hbm>> -> memref<1x512x128xf32, #tpu.memory_space<hbm>>
    %dma_start3A_771 = tpu.memref_squeeze %dma_start3A_770 : memref<1x512x128xf32, #tpu.memory_space<hbm>> -> memref<512x128xf32, #tpu.memory_space<hbm>>
    %dma_start3A_772 = arith.constant 0 : i32
    %dma_start3A_773 = tpu.memref_slice %arg3[%add3A_760, %dma_start3A_772, %multiple_of3A_766] : memref<512x512x256xf32, #tpu.memory_space<hbm>> -> memref<1x512x128xf32, #tpu.memory_space<hbm>>
    %dma_start3A_774 = tpu.memref_squeeze %dma_start3A_773 : memref<1x512x128xf32, #tpu.memory_space<hbm>> -> memref<512x128xf32, #tpu.memory_space<hbm>>
    %dma_start3A_775 = arith.constant 0 : i32
    %dma_start3A_776 = tpu.memref_slice %arg4[%multiple_of3A_765, %dma_start3A_775] : memref<1016x128xf32, #tpu.memory_space<vmem>> -> memref<512x128xf32, #tpu.memory_space<vmem>>
    tpu.enqueue_dma source(%dma_start3A_776 : memref<512x128xf32, #tpu.memory_space<vmem>>) target(%dma_start3A_774 : memref<512x128xf32, #tpu.memory_space<hbm>>) target_semaphore(%arg5 : memref<!tpu.dma_semaphore, #tpu.memory_space<semaphore_mem>>)
    %add3A_777 = arith.constant 31 : i32
    %add3A_778 = arith.addi %mul3A_10, %add3A_777 : i32
    %mul3A_779 = arith.constant 8 : i32
    %mul3A_780 = arith.muli %mul3A_779, %add3A_778 : i32
    %add3A_781 = arith.addi %div3A_1, %mul3A_780 : i32
    %mul3A_782 = arith.constant 8 : i32
    %mul3A_783 = arith.muli %mul3A_782, %add3A_778 : i32
    %sub3A_784 = arith.constant 504 : i32
    %sub3A_785 = arith.subi %sub3A_784, %mul3A_783 : i32
    %multiple_of3A_786 = tpu.assume_multiple %sub3A_785, 8 : i32
    %multiple_of3A_787 = tpu.assume_multiple %mul3A_6, 128 : i32
    %dma_start3A_788 = arith.constant 0 : i32
    %dma_start3A_789 = tpu.memref_slice %arg4[%multiple_of3A_786, %dma_start3A_788] : memref<1016x128xf32, #tpu.memory_space<vmem>> -> memref<512x128xf32, #tpu.memory_space<vmem>>
    %dma_start3A_790 = arith.constant 0 : i32
    %dma_start3A_791 = tpu.memref_slice %arg3[%add3A_781, %dma_start3A_790, %multiple_of3A_787] : memref<512x512x256xf32, #tpu.memory_space<hbm>> -> memref<1x512x128xf32, #tpu.memory_space<hbm>>
    %dma_start3A_792 = tpu.memref_squeeze %dma_start3A_791 : memref<1x512x128xf32, #tpu.memory_space<hbm>> -> memref<512x128xf32, #tpu.memory_space<hbm>>
    %dma_start3A_793 = arith.constant 0 : i32
    %dma_start3A_794 = tpu.memref_slice %arg3[%add3A_781, %dma_start3A_793, %multiple_of3A_787] : memref<512x512x256xf32, #tpu.memory_space<hbm>> -> memref<1x512x128xf32, #tpu.memory_space<hbm>>
    %dma_start3A_795 = tpu.memref_squeeze %dma_start3A_794 : memref<1x512x128xf32, #tpu.memory_space<hbm>> -> memref<512x128xf32, #tpu.memory_space<hbm>>
    %dma_start3A_796 = arith.constant 0 : i32
    %dma_start3A_797 = tpu.memref_slice %arg4[%multiple_of3A_786, %dma_start3A_796] : memref<1016x128xf32, #tpu.memory_space<vmem>> -> memref<512x128xf32, #tpu.memory_space<vmem>>
    tpu.enqueue_dma source(%dma_start3A_797 : memref<512x128xf32, #tpu.memory_space<vmem>>) target(%dma_start3A_795 : memref<512x128xf32, #tpu.memory_space<hbm>>) target_semaphore(%arg5 : memref<!tpu.dma_semaphore, #tpu.memory_space<semaphore_mem>>)
    %dma_wait3A = arith.constant 0 : i32
    %dma_wait3A_798 = tpu.memref_slice %arg4[%multiple_of3A_136, %dma_wait3A] : memref<1016x128xf32, #tpu.memory_space<vmem>> -> memref<512x128xf32, #tpu.memory_space<vmem>>
    %dma_wait3A_799 = arith.constant 0 : i32
    %dma_wait3A_800 = tpu.memref_slice %arg3[%add3A_131, %dma_wait3A_799, %multiple_of3A_137] : memref<512x512x256xf32, #tpu.memory_space<hbm>> -> memref<1x512x128xf32, #tpu.memory_space<hbm>>
    %dma_wait3A_801 = tpu.memref_squeeze %dma_wait3A_800 : memref<1x512x128xf32, #tpu.memory_space<hbm>> -> memref<512x128xf32, #tpu.memory_space<hbm>>
    %dma_wait3A_802 = arith.constant 0 : i32
    %dma_wait3A_803 = tpu.memref_slice %arg3[%add3A_131, %dma_wait3A_802, %multiple_of3A_137] : memref<512x512x256xf32, #tpu.memory_space<hbm>> -> memref<1x512x128xf32, #tpu.memory_space<hbm>>
    %dma_wait3A_804 = tpu.memref_squeeze %dma_wait3A_803 : memref<1x512x128xf32, #tpu.memory_space<hbm>> -> memref<512x128xf32, #tpu.memory_space<hbm>>
    %dma_wait3A_805 = arith.constant 0 : i32
    %dma_wait3A_806 = tpu.memref_slice %arg4[%multiple_of3A_136, %dma_wait3A_805] : memref<1016x128xf32, #tpu.memory_space<vmem>> -> memref<512x128xf32, #tpu.memory_space<vmem>>
    tpu.wait_dma2 semaphore(%arg5 : memref<!tpu.dma_semaphore, #tpu.memory_space<semaphore_mem>>) src(%dma_wait3A_806 : memref<512x128xf32, #tpu.memory_space<vmem>>) dst(%dma_wait3A_804 : memref<512x128xf32, #tpu.memory_space<hbm>>)
    %dma_wait3A_807 = arith.constant 0 : i32
    %dma_wait3A_808 = tpu.memref_slice %arg4[%multiple_of3A_156, %dma_wait3A_807] : memref<1016x128xf32, #tpu.memory_space<vmem>> -> memref<512x128xf32, #tpu.memory_space<vmem>>
    %dma_wait3A_809 = arith.constant 0 : i32
    %dma_wait3A_810 = tpu.memref_slice %arg3[%add3A_151, %dma_wait3A_809, %multiple_of3A_157] : memref<512x512x256xf32, #tpu.memory_space<hbm>> -> memref<1x512x128xf32, #tpu.memory_space<hbm>>
    %dma_wait3A_811 = tpu.memref_squeeze %dma_wait3A_810 : memref<1x512x128xf32, #tpu.memory_space<hbm>> -> memref<512x128xf32, #tpu.memory_space<hbm>>
    %dma_wait3A_812 = arith.constant 0 : i32
    %dma_wait3A_813 = tpu.memref_slice %arg3[%add3A_151, %dma_wait3A_812, %multiple_of3A_157] : memref<512x512x256xf32, #tpu.memory_space<hbm>> -> memref<1x512x128xf32, #tpu.memory_space<hbm>>
    %dma_wait3A_814 = tpu.memref_squeeze %dma_wait3A_813 : memref<1x512x128xf32, #tpu.memory_space<hbm>> -> memref<512x128xf32, #tpu.memory_space<hbm>>
    %dma_wait3A_815 = arith.constant 0 : i32
    %dma_wait3A_816 = tpu.memref_slice %arg4[%multiple_of3A_156, %dma_wait3A_815] : memref<1016x128xf32, #tpu.memory_space<vmem>> -> memref<512x128xf32, #tpu.memory_space<vmem>>
    tpu.wait_dma2 semaphore(%arg5 : memref<!tpu.dma_semaphore, #tpu.memory_space<semaphore_mem>>) src(%dma_wait3A_816 : memref<512x128xf32, #tpu.memory_space<vmem>>) dst(%dma_wait3A_814 : memref<512x128xf32, #tpu.memory_space<hbm>>)
    %dma_wait3A_817 = arith.constant 0 : i32
    %dma_wait3A_818 = tpu.memref_slice %arg4[%multiple_of3A_177, %dma_wait3A_817] : memref<1016x128xf32, #tpu.memory_space<vmem>> -> memref<512x128xf32, #tpu.memory_space<vmem>>
    %dma_wait3A_819 = arith.constant 0 : i32
    %dma_wait3A_820 = tpu.memref_slice %arg3[%add3A_172, %dma_wait3A_819, %multiple_of3A_178] : memref<512x512x256xf32, #tpu.memory_space<hbm>> -> memref<1x512x128xf32, #tpu.memory_space<hbm>>
    %dma_wait3A_821 = tpu.memref_squeeze %dma_wait3A_820 : memref<1x512x128xf32, #tpu.memory_space<hbm>> -> memref<512x128xf32, #tpu.memory_space<hbm>>
    %dma_wait3A_822 = arith.constant 0 : i32
    %dma_wait3A_823 = tpu.memref_slice %arg3[%add3A_172, %dma_wait3A_822, %multiple_of3A_178] : memref<512x512x256xf32, #tpu.memory_space<hbm>> -> memref<1x512x128xf32, #tpu.memory_space<hbm>>
    %dma_wait3A_824 = tpu.memref_squeeze %dma_wait3A_823 : memref<1x512x128xf32, #tpu.memory_space<hbm>> -> memref<512x128xf32, #tpu.memory_space<hbm>>
    %dma_wait3A_825 = arith.constant 0 : i32
    %dma_wait3A_826 = tpu.memref_slice %arg4[%multiple_of3A_177, %dma_wait3A_825] : memref<1016x128xf32, #tpu.memory_space<vmem>> -> memref<512x128xf32, #tpu.memory_space<vmem>>
    tpu.wait_dma2 semaphore(%arg5 : memref<!tpu.dma_semaphore, #tpu.memory_space<semaphore_mem>>) src(%dma_wait3A_826 : memref<512x128xf32, #tpu.memory_space<vmem>>) dst(%dma_wait3A_824 : memref<512x128xf32, #tpu.memory_space<hbm>>)
    %dma_wait3A_827 = arith.constant 0 : i32
    %dma_wait3A_828 = tpu.memref_slice %arg4[%multiple_of3A_198, %dma_wait3A_827] : memref<1016x128xf32, #tpu.memory_space<vmem>> -> memref<512x128xf32, #tpu.memory_space<vmem>>
    %dma_wait3A_829 = arith.constant 0 : i32
    %dma_wait3A_830 = tpu.memref_slice %arg3[%add3A_193, %dma_wait3A_829, %multiple_of3A_199] : memref<512x512x256xf32, #tpu.memory_space<hbm>> -> memref<1x512x128xf32, #tpu.memory_space<hbm>>
    %dma_wait3A_831 = tpu.memref_squeeze %dma_wait3A_830 : memref<1x512x128xf32, #tpu.memory_space<hbm>> -> memref<512x128xf32, #tpu.memory_space<hbm>>
    %dma_wait3A_832 = arith.constant 0 : i32
    %dma_wait3A_833 = tpu.memref_slice %arg3[%add3A_193, %dma_wait3A_832, %multiple_of3A_199] : memref<512x512x256xf32, #tpu.memory_space<hbm>> -> memref<1x512x128xf32, #tpu.memory_space<hbm>>
    %dma_wait3A_834 = tpu.memref_squeeze %dma_wait3A_833 : memref<1x512x128xf32, #tpu.memory_space<hbm>> -> memref<512x128xf32, #tpu.memory_space<hbm>>
    %dma_wait3A_835 = arith.constant 0 : i32
    %dma_wait3A_836 = tpu.memref_slice %arg4[%multiple_of3A_198, %dma_wait3A_835] : memref<1016x128xf32, #tpu.memory_space<vmem>> -> memref<512x128xf32, #tpu.memory_space<vmem>>
    tpu.wait_dma2 semaphore(%arg5 : memref<!tpu.dma_semaphore, #tpu.memory_space<semaphore_mem>>) src(%dma_wait3A_836 : memref<512x128xf32, #tpu.memory_space<vmem>>) dst(%dma_wait3A_834 : memref<512x128xf32, #tpu.memory_space<hbm>>)
    %dma_wait3A_837 = arith.constant 0 : i32
    %dma_wait3A_838 = tpu.memref_slice %arg4[%multiple_of3A_219, %dma_wait3A_837] : memref<1016x128xf32, #tpu.memory_space<vmem>> -> memref<512x128xf32, #tpu.memory_space<vmem>>
    %dma_wait3A_839 = arith.constant 0 : i32
    %dma_wait3A_840 = tpu.memref_slice %arg3[%add3A_214, %dma_wait3A_839, %multiple_of3A_220] : memref<512x512x256xf32, #tpu.memory_space<hbm>> -> memref<1x512x128xf32, #tpu.memory_space<hbm>>
    %dma_wait3A_841 = tpu.memref_squeeze %dma_wait3A_840 : memref<1x512x128xf32, #tpu.memory_space<hbm>> -> memref<512x128xf32, #tpu.memory_space<hbm>>
    %dma_wait3A_842 = arith.constant 0 : i32
    %dma_wait3A_843 = tpu.memref_slice %arg3[%add3A_214, %dma_wait3A_842, %multiple_of3A_220] : memref<512x512x256xf32, #tpu.memory_space<hbm>> -> memref<1x512x128xf32, #tpu.memory_space<hbm>>
    %dma_wait3A_844 = tpu.memref_squeeze %dma_wait3A_843 : memref<1x512x128xf32, #tpu.memory_space<hbm>> -> memref<512x128xf32, #tpu.memory_space<hbm>>
    %dma_wait3A_845 = arith.constant 0 : i32
    %dma_wait3A_846 = tpu.memref_slice %arg4[%multiple_of3A_219, %dma_wait3A_845] : memref<1016x128xf32, #tpu.memory_space<vmem>> -> memref<512x128xf32, #tpu.memory_space<vmem>>
    tpu.wait_dma2 semaphore(%arg5 : memref<!tpu.dma_semaphore, #tpu.memory_space<semaphore_mem>>) src(%dma_wait3A_846 : memref<512x128xf32, #tpu.memory_space<vmem>>) dst(%dma_wait3A_844 : memref<512x128xf32, #tpu.memory_space<hbm>>)
    %dma_wait3A_847 = arith.constant 0 : i32
    %dma_wait3A_848 = tpu.memref_slice %arg4[%multiple_of3A_240, %dma_wait3A_847] : memref<1016x128xf32, #tpu.memory_space<vmem>> -> memref<512x128xf32, #tpu.memory_space<vmem>>
    %dma_wait3A_849 = arith.constant 0 : i32
    %dma_wait3A_850 = tpu.memref_slice %arg3[%add3A_235, %dma_wait3A_849, %multiple_of3A_241] : memref<512x512x256xf32, #tpu.memory_space<hbm>> -> memref<1x512x128xf32, #tpu.memory_space<hbm>>
    %dma_wait3A_851 = tpu.memref_squeeze %dma_wait3A_850 : memref<1x512x128xf32, #tpu.memory_space<hbm>> -> memref<512x128xf32, #tpu.memory_space<hbm>>
    %dma_wait3A_852 = arith.constant 0 : i32
    %dma_wait3A_853 = tpu.memref_slice %arg3[%add3A_235, %dma_wait3A_852, %multiple_of3A_241] : memref<512x512x256xf32, #tpu.memory_space<hbm>> -> memref<1x512x128xf32, #tpu.memory_space<hbm>>
    %dma_wait3A_854 = tpu.memref_squeeze %dma_wait3A_853 : memref<1x512x128xf32, #tpu.memory_space<hbm>> -> memref<512x128xf32, #tpu.memory_space<hbm>>
    %dma_wait3A_855 = arith.constant 0 : i32
    %dma_wait3A_856 = tpu.memref_slice %arg4[%multiple_of3A_240, %dma_wait3A_855] : memref<1016x128xf32, #tpu.memory_space<vmem>> -> memref<512x128xf32, #tpu.memory_space<vmem>>
    tpu.wait_dma2 semaphore(%arg5 : memref<!tpu.dma_semaphore, #tpu.memory_space<semaphore_mem>>) src(%dma_wait3A_856 : memref<512x128xf32, #tpu.memory_space<vmem>>) dst(%dma_wait3A_854 : memref<512x128xf32, #tpu.memory_space<hbm>>)
    %dma_wait3A_857 = arith.constant 0 : i32
    %dma_wait3A_858 = tpu.memref_slice %arg4[%multiple_of3A_261, %dma_wait3A_857] : memref<1016x128xf32, #tpu.memory_space<vmem>> -> memref<512x128xf32, #tpu.memory_space<vmem>>
    %dma_wait3A_859 = arith.constant 0 : i32
    %dma_wait3A_860 = tpu.memref_slice %arg3[%add3A_256, %dma_wait3A_859, %multiple_of3A_262] : memref<512x512x256xf32, #tpu.memory_space<hbm>> -> memref<1x512x128xf32, #tpu.memory_space<hbm>>
    %dma_wait3A_861 = tpu.memref_squeeze %dma_wait3A_860 : memref<1x512x128xf32, #tpu.memory_space<hbm>> -> memref<512x128xf32, #tpu.memory_space<hbm>>
    %dma_wait3A_862 = arith.constant 0 : i32
    %dma_wait3A_863 = tpu.memref_slice %arg3[%add3A_256, %dma_wait3A_862, %multiple_of3A_262] : memref<512x512x256xf32, #tpu.memory_space<hbm>> -> memref<1x512x128xf32, #tpu.memory_space<hbm>>
    %dma_wait3A_864 = tpu.memref_squeeze %dma_wait3A_863 : memref<1x512x128xf32, #tpu.memory_space<hbm>> -> memref<512x128xf32, #tpu.memory_space<hbm>>
    %dma_wait3A_865 = arith.constant 0 : i32
    %dma_wait3A_866 = tpu.memref_slice %arg4[%multiple_of3A_261, %dma_wait3A_865] : memref<1016x128xf32, #tpu.memory_space<vmem>> -> memref<512x128xf32, #tpu.memory_space<vmem>>
    tpu.wait_dma2 semaphore(%arg5 : memref<!tpu.dma_semaphore, #tpu.memory_space<semaphore_mem>>) src(%dma_wait3A_866 : memref<512x128xf32, #tpu.memory_space<vmem>>) dst(%dma_wait3A_864 : memref<512x128xf32, #tpu.memory_space<hbm>>)
    %dma_wait3A_867 = arith.constant 0 : i32
    %dma_wait3A_868 = tpu.memref_slice %arg4[%multiple_of3A_282, %dma_wait3A_867] : memref<1016x128xf32, #tpu.memory_space<vmem>> -> memref<512x128xf32, #tpu.memory_space<vmem>>
    %dma_wait3A_869 = arith.constant 0 : i32
    %dma_wait3A_870 = tpu.memref_slice %arg3[%add3A_277, %dma_wait3A_869, %multiple_of3A_283] : memref<512x512x256xf32, #tpu.memory_space<hbm>> -> memref<1x512x128xf32, #tpu.memory_space<hbm>>
    %dma_wait3A_871 = tpu.memref_squeeze %dma_wait3A_870 : memref<1x512x128xf32, #tpu.memory_space<hbm>> -> memref<512x128xf32, #tpu.memory_space<hbm>>
    %dma_wait3A_872 = arith.constant 0 : i32
    %dma_wait3A_873 = tpu.memref_slice %arg3[%add3A_277, %dma_wait3A_872, %multiple_of3A_283] : memref<512x512x256xf32, #tpu.memory_space<hbm>> -> memref<1x512x128xf32, #tpu.memory_space<hbm>>
    %dma_wait3A_874 = tpu.memref_squeeze %dma_wait3A_873 : memref<1x512x128xf32, #tpu.memory_space<hbm>> -> memref<512x128xf32, #tpu.memory_space<hbm>>
    %dma_wait3A_875 = arith.constant 0 : i32
    %dma_wait3A_876 = tpu.memref_slice %arg4[%multiple_of3A_282, %dma_wait3A_875] : memref<1016x128xf32, #tpu.memory_space<vmem>> -> memref<512x128xf32, #tpu.memory_space<vmem>>
    tpu.wait_dma2 semaphore(%arg5 : memref<!tpu.dma_semaphore, #tpu.memory_space<semaphore_mem>>) src(%dma_wait3A_876 : memref<512x128xf32, #tpu.memory_space<vmem>>) dst(%dma_wait3A_874 : memref<512x128xf32, #tpu.memory_space<hbm>>)
    %dma_wait3A_877 = arith.constant 0 : i32
    %dma_wait3A_878 = tpu.memref_slice %arg4[%multiple_of3A_303, %dma_wait3A_877] : memref<1016x128xf32, #tpu.memory_space<vmem>> -> memref<512x128xf32, #tpu.memory_space<vmem>>
    %dma_wait3A_879 = arith.constant 0 : i32
    %dma_wait3A_880 = tpu.memref_slice %arg3[%add3A_298, %dma_wait3A_879, %multiple_of3A_304] : memref<512x512x256xf32, #tpu.memory_space<hbm>> -> memref<1x512x128xf32, #tpu.memory_space<hbm>>
    %dma_wait3A_881 = tpu.memref_squeeze %dma_wait3A_880 : memref<1x512x128xf32, #tpu.memory_space<hbm>> -> memref<512x128xf32, #tpu.memory_space<hbm>>
    %dma_wait3A_882 = arith.constant 0 : i32
    %dma_wait3A_883 = tpu.memref_slice %arg3[%add3A_298, %dma_wait3A_882, %multiple_of3A_304] : memref<512x512x256xf32, #tpu.memory_space<hbm>> -> memref<1x512x128xf32, #tpu.memory_space<hbm>>
    %dma_wait3A_884 = tpu.memref_squeeze %dma_wait3A_883 : memref<1x512x128xf32, #tpu.memory_space<hbm>> -> memref<512x128xf32, #tpu.memory_space<hbm>>
    %dma_wait3A_885 = arith.constant 0 : i32
    %dma_wait3A_886 = tpu.memref_slice %arg4[%multiple_of3A_303, %dma_wait3A_885] : memref<1016x128xf32, #tpu.memory_space<vmem>> -> memref<512x128xf32, #tpu.memory_space<vmem>>
    tpu.wait_dma2 semaphore(%arg5 : memref<!tpu.dma_semaphore, #tpu.memory_space<semaphore_mem>>) src(%dma_wait3A_886 : memref<512x128xf32, #tpu.memory_space<vmem>>) dst(%dma_wait3A_884 : memref<512x128xf32, #tpu.memory_space<hbm>>)
    %dma_wait3A_887 = arith.constant 0 : i32
    %dma_wait3A_888 = tpu.memref_slice %arg4[%multiple_of3A_324, %dma_wait3A_887] : memref<1016x128xf32, #tpu.memory_space<vmem>> -> memref<512x128xf32, #tpu.memory_space<vmem>>
    %dma_wait3A_889 = arith.constant 0 : i32
    %dma_wait3A_890 = tpu.memref_slice %arg3[%add3A_319, %dma_wait3A_889, %multiple_of3A_325] : memref<512x512x256xf32, #tpu.memory_space<hbm>> -> memref<1x512x128xf32, #tpu.memory_space<hbm>>
    %dma_wait3A_891 = tpu.memref_squeeze %dma_wait3A_890 : memref<1x512x128xf32, #tpu.memory_space<hbm>> -> memref<512x128xf32, #tpu.memory_space<hbm>>
    %dma_wait3A_892 = arith.constant 0 : i32
    %dma_wait3A_893 = tpu.memref_slice %arg3[%add3A_319, %dma_wait3A_892, %multiple_of3A_325] : memref<512x512x256xf32, #tpu.memory_space<hbm>> -> memref<1x512x128xf32, #tpu.memory_space<hbm>>
    %dma_wait3A_894 = tpu.memref_squeeze %dma_wait3A_893 : memref<1x512x128xf32, #tpu.memory_space<hbm>> -> memref<512x128xf32, #tpu.memory_space<hbm>>
    %dma_wait3A_895 = arith.constant 0 : i32
    %dma_wait3A_896 = tpu.memref_slice %arg4[%multiple_of3A_324, %dma_wait3A_895] : memref<1016x128xf32, #tpu.memory_space<vmem>> -> memref<512x128xf32, #tpu.memory_space<vmem>>
    tpu.wait_dma2 semaphore(%arg5 : memref<!tpu.dma_semaphore, #tpu.memory_space<semaphore_mem>>) src(%dma_wait3A_896 : memref<512x128xf32, #tpu.memory_space<vmem>>) dst(%dma_wait3A_894 : memref<512x128xf32, #tpu.memory_space<hbm>>)
    %dma_wait3A_897 = arith.constant 0 : i32
    %dma_wait3A_898 = tpu.memref_slice %arg4[%multiple_of3A_345, %dma_wait3A_897] : memref<1016x128xf32, #tpu.memory_space<vmem>> -> memref<512x128xf32, #tpu.memory_space<vmem>>
    %dma_wait3A_899 = arith.constant 0 : i32
    %dma_wait3A_900 = tpu.memref_slice %arg3[%add3A_340, %dma_wait3A_899, %multiple_of3A_346] : memref<512x512x256xf32, #tpu.memory_space<hbm>> -> memref<1x512x128xf32, #tpu.memory_space<hbm>>
    %dma_wait3A_901 = tpu.memref_squeeze %dma_wait3A_900 : memref<1x512x128xf32, #tpu.memory_space<hbm>> -> memref<512x128xf32, #tpu.memory_space<hbm>>
    %dma_wait3A_902 = arith.constant 0 : i32
    %dma_wait3A_903 = tpu.memref_slice %arg3[%add3A_340, %dma_wait3A_902, %multiple_of3A_346] : memref<512x512x256xf32, #tpu.memory_space<hbm>> -> memref<1x512x128xf32, #tpu.memory_space<hbm>>
    %dma_wait3A_904 = tpu.memref_squeeze %dma_wait3A_903 : memref<1x512x128xf32, #tpu.memory_space<hbm>> -> memref<512x128xf32, #tpu.memory_space<hbm>>
    %dma_wait3A_905 = arith.constant 0 : i32
    %dma_wait3A_906 = tpu.memref_slice %arg4[%multiple_of3A_345, %dma_wait3A_905] : memref<1016x128xf32, #tpu.memory_space<vmem>> -> memref<512x128xf32, #tpu.memory_space<vmem>>
    tpu.wait_dma2 semaphore(%arg5 : memref<!tpu.dma_semaphore, #tpu.memory_space<semaphore_mem>>) src(%dma_wait3A_906 : memref<512x128xf32, #tpu.memory_space<vmem>>) dst(%dma_wait3A_904 : memref<512x128xf32, #tpu.memory_space<hbm>>)
    %dma_wait3A_907 = arith.constant 0 : i32
    %dma_wait3A_908 = tpu.memref_slice %arg4[%multiple_of3A_366, %dma_wait3A_907] : memref<1016x128xf32, #tpu.memory_space<vmem>> -> memref<512x128xf32, #tpu.memory_space<vmem>>
    %dma_wait3A_909 = arith.constant 0 : i32
    %dma_wait3A_910 = tpu.memref_slice %arg3[%add3A_361, %dma_wait3A_909, %multiple_of3A_367] : memref<512x512x256xf32, #tpu.memory_space<hbm>> -> memref<1x512x128xf32, #tpu.memory_space<hbm>>
    %dma_wait3A_911 = tpu.memref_squeeze %dma_wait3A_910 : memref<1x512x128xf32, #tpu.memory_space<hbm>> -> memref<512x128xf32, #tpu.memory_space<hbm>>
    %dma_wait3A_912 = arith.constant 0 : i32
    %dma_wait3A_913 = tpu.memref_slice %arg3[%add3A_361, %dma_wait3A_912, %multiple_of3A_367] : memref<512x512x256xf32, #tpu.memory_space<hbm>> -> memref<1x512x128xf32, #tpu.memory_space<hbm>>
    %dma_wait3A_914 = tpu.memref_squeeze %dma_wait3A_913 : memref<1x512x128xf32, #tpu.memory_space<hbm>> -> memref<512x128xf32, #tpu.memory_space<hbm>>
    %dma_wait3A_915 = arith.constant 0 : i32
    %dma_wait3A_916 = tpu.memref_slice %arg4[%multiple_of3A_366, %dma_wait3A_915] : memref<1016x128xf32, #tpu.memory_space<vmem>> -> memref<512x128xf32, #tpu.memory_space<vmem>>
    tpu.wait_dma2 semaphore(%arg5 : memref<!tpu.dma_semaphore, #tpu.memory_space<semaphore_mem>>) src(%dma_wait3A_916 : memref<512x128xf32, #tpu.memory_space<vmem>>) dst(%dma_wait3A_914 : memref<512x128xf32, #tpu.memory_space<hbm>>)
    %dma_wait3A_917 = arith.constant 0 : i32
    %dma_wait3A_918 = tpu.memref_slice %arg4[%multiple_of3A_387, %dma_wait3A_917] : memref<1016x128xf32, #tpu.memory_space<vmem>> -> memref<512x128xf32, #tpu.memory_space<vmem>>
    %dma_wait3A_919 = arith.constant 0 : i32
    %dma_wait3A_920 = tpu.memref_slice %arg3[%add3A_382, %dma_wait3A_919, %multiple_of3A_388] : memref<512x512x256xf32, #tpu.memory_space<hbm>> -> memref<1x512x128xf32, #tpu.memory_space<hbm>>
    %dma_wait3A_921 = tpu.memref_squeeze %dma_wait3A_920 : memref<1x512x128xf32, #tpu.memory_space<hbm>> -> memref<512x128xf32, #tpu.memory_space<hbm>>
    %dma_wait3A_922 = arith.constant 0 : i32
    %dma_wait3A_923 = tpu.memref_slice %arg3[%add3A_382, %dma_wait3A_922, %multiple_of3A_388] : memref<512x512x256xf32, #tpu.memory_space<hbm>> -> memref<1x512x128xf32, #tpu.memory_space<hbm>>
    %dma_wait3A_924 = tpu.memref_squeeze %dma_wait3A_923 : memref<1x512x128xf32, #tpu.memory_space<hbm>> -> memref<512x128xf32, #tpu.memory_space<hbm>>
    %dma_wait3A_925 = arith.constant 0 : i32
    %dma_wait3A_926 = tpu.memref_slice %arg4[%multiple_of3A_387, %dma_wait3A_925] : memref<1016x128xf32, #tpu.memory_space<vmem>> -> memref<512x128xf32, #tpu.memory_space<vmem>>
    tpu.wait_dma2 semaphore(%arg5 : memref<!tpu.dma_semaphore, #tpu.memory_space<semaphore_mem>>) src(%dma_wait3A_926 : memref<512x128xf32, #tpu.memory_space<vmem>>) dst(%dma_wait3A_924 : memref<512x128xf32, #tpu.memory_space<hbm>>)
    %dma_wait3A_927 = arith.constant 0 : i32
    %dma_wait3A_928 = tpu.memref_slice %arg4[%multiple_of3A_408, %dma_wait3A_927] : memref<1016x128xf32, #tpu.memory_space<vmem>> -> memref<512x128xf32, #tpu.memory_space<vmem>>
    %dma_wait3A_929 = arith.constant 0 : i32
    %dma_wait3A_930 = tpu.memref_slice %arg3[%add3A_403, %dma_wait3A_929, %multiple_of3A_409] : memref<512x512x256xf32, #tpu.memory_space<hbm>> -> memref<1x512x128xf32, #tpu.memory_space<hbm>>
    %dma_wait3A_931 = tpu.memref_squeeze %dma_wait3A_930 : memref<1x512x128xf32, #tpu.memory_space<hbm>> -> memref<512x128xf32, #tpu.memory_space<hbm>>
    %dma_wait3A_932 = arith.constant 0 : i32
    %dma_wait3A_933 = tpu.memref_slice %arg3[%add3A_403, %dma_wait3A_932, %multiple_of3A_409] : memref<512x512x256xf32, #tpu.memory_space<hbm>> -> memref<1x512x128xf32, #tpu.memory_space<hbm>>
    %dma_wait3A_934 = tpu.memref_squeeze %dma_wait3A_933 : memref<1x512x128xf32, #tpu.memory_space<hbm>> -> memref<512x128xf32, #tpu.memory_space<hbm>>
    %dma_wait3A_935 = arith.constant 0 : i32
    %dma_wait3A_936 = tpu.memref_slice %arg4[%multiple_of3A_408, %dma_wait3A_935] : memref<1016x128xf32, #tpu.memory_space<vmem>> -> memref<512x128xf32, #tpu.memory_space<vmem>>
    tpu.wait_dma2 semaphore(%arg5 : memref<!tpu.dma_semaphore, #tpu.memory_space<semaphore_mem>>) src(%dma_wait3A_936 : memref<512x128xf32, #tpu.memory_space<vmem>>) dst(%dma_wait3A_934 : memref<512x128xf32, #tpu.memory_space<hbm>>)
    %dma_wait3A_937 = arith.constant 0 : i32
    %dma_wait3A_938 = tpu.memref_slice %arg4[%multiple_of3A_429, %dma_wait3A_937] : memref<1016x128xf32, #tpu.memory_space<vmem>> -> memref<512x128xf32, #tpu.memory_space<vmem>>
    %dma_wait3A_939 = arith.constant 0 : i32
    %dma_wait3A_940 = tpu.memref_slice %arg3[%add3A_424, %dma_wait3A_939, %multiple_of3A_430] : memref<512x512x256xf32, #tpu.memory_space<hbm>> -> memref<1x512x128xf32, #tpu.memory_space<hbm>>
    %dma_wait3A_941 = tpu.memref_squeeze %dma_wait3A_940 : memref<1x512x128xf32, #tpu.memory_space<hbm>> -> memref<512x128xf32, #tpu.memory_space<hbm>>
    %dma_wait3A_942 = arith.constant 0 : i32
    %dma_wait3A_943 = tpu.memref_slice %arg3[%add3A_424, %dma_wait3A_942, %multiple_of3A_430] : memref<512x512x256xf32, #tpu.memory_space<hbm>> -> memref<1x512x128xf32, #tpu.memory_space<hbm>>
    %dma_wait3A_944 = tpu.memref_squeeze %dma_wait3A_943 : memref<1x512x128xf32, #tpu.memory_space<hbm>> -> memref<512x128xf32, #tpu.memory_space<hbm>>
    %dma_wait3A_945 = arith.constant 0 : i32
    %dma_wait3A_946 = tpu.memref_slice %arg4[%multiple_of3A_429, %dma_wait3A_945] : memref<1016x128xf32, #tpu.memory_space<vmem>> -> memref<512x128xf32, #tpu.memory_space<vmem>>
    tpu.wait_dma2 semaphore(%arg5 : memref<!tpu.dma_semaphore, #tpu.memory_space<semaphore_mem>>) src(%dma_wait3A_946 : memref<512x128xf32, #tpu.memory_space<vmem>>) dst(%dma_wait3A_944 : memref<512x128xf32, #tpu.memory_space<hbm>>)
    %dma_wait3A_947 = arith.constant 0 : i32
    %dma_wait3A_948 = tpu.memref_slice %arg4[%multiple_of3A_450, %dma_wait3A_947] : memref<1016x128xf32, #tpu.memory_space<vmem>> -> memref<512x128xf32, #tpu.memory_space<vmem>>
    %dma_wait3A_949 = arith.constant 0 : i32
    %dma_wait3A_950 = tpu.memref_slice %arg3[%add3A_445, %dma_wait3A_949, %multiple_of3A_451] : memref<512x512x256xf32, #tpu.memory_space<hbm>> -> memref<1x512x128xf32, #tpu.memory_space<hbm>>
    %dma_wait3A_951 = tpu.memref_squeeze %dma_wait3A_950 : memref<1x512x128xf32, #tpu.memory_space<hbm>> -> memref<512x128xf32, #tpu.memory_space<hbm>>
    %dma_wait3A_952 = arith.constant 0 : i32
    %dma_wait3A_953 = tpu.memref_slice %arg3[%add3A_445, %dma_wait3A_952, %multiple_of3A_451] : memref<512x512x256xf32, #tpu.memory_space<hbm>> -> memref<1x512x128xf32, #tpu.memory_space<hbm>>
    %dma_wait3A_954 = tpu.memref_squeeze %dma_wait3A_953 : memref<1x512x128xf32, #tpu.memory_space<hbm>> -> memref<512x128xf32, #tpu.memory_space<hbm>>
    %dma_wait3A_955 = arith.constant 0 : i32
    %dma_wait3A_956 = tpu.memref_slice %arg4[%multiple_of3A_450, %dma_wait3A_955] : memref<1016x128xf32, #tpu.memory_space<vmem>> -> memref<512x128xf32, #tpu.memory_space<vmem>>
    tpu.wait_dma2 semaphore(%arg5 : memref<!tpu.dma_semaphore, #tpu.memory_space<semaphore_mem>>) src(%dma_wait3A_956 : memref<512x128xf32, #tpu.memory_space<vmem>>) dst(%dma_wait3A_954 : memref<512x128xf32, #tpu.memory_space<hbm>>)
    %dma_wait3A_957 = arith.constant 0 : i32
    %dma_wait3A_958 = tpu.memref_slice %arg4[%multiple_of3A_471, %dma_wait3A_957] : memref<1016x128xf32, #tpu.memory_space<vmem>> -> memref<512x128xf32, #tpu.memory_space<vmem>>
    %dma_wait3A_959 = arith.constant 0 : i32
    %dma_wait3A_960 = tpu.memref_slice %arg3[%add3A_466, %dma_wait3A_959, %multiple_of3A_472] : memref<512x512x256xf32, #tpu.memory_space<hbm>> -> memref<1x512x128xf32, #tpu.memory_space<hbm>>
    %dma_wait3A_961 = tpu.memref_squeeze %dma_wait3A_960 : memref<1x512x128xf32, #tpu.memory_space<hbm>> -> memref<512x128xf32, #tpu.memory_space<hbm>>
    %dma_wait3A_962 = arith.constant 0 : i32
    %dma_wait3A_963 = tpu.memref_slice %arg3[%add3A_466, %dma_wait3A_962, %multiple_of3A_472] : memref<512x512x256xf32, #tpu.memory_space<hbm>> -> memref<1x512x128xf32, #tpu.memory_space<hbm>>
    %dma_wait3A_964 = tpu.memref_squeeze %dma_wait3A_963 : memref<1x512x128xf32, #tpu.memory_space<hbm>> -> memref<512x128xf32, #tpu.memory_space<hbm>>
    %dma_wait3A_965 = arith.constant 0 : i32
    %dma_wait3A_966 = tpu.memref_slice %arg4[%multiple_of3A_471, %dma_wait3A_965] : memref<1016x128xf32, #tpu.memory_space<vmem>> -> memref<512x128xf32, #tpu.memory_space<vmem>>
    tpu.wait_dma2 semaphore(%arg5 : memref<!tpu.dma_semaphore, #tpu.memory_space<semaphore_mem>>) src(%dma_wait3A_966 : memref<512x128xf32, #tpu.memory_space<vmem>>) dst(%dma_wait3A_964 : memref<512x128xf32, #tpu.memory_space<hbm>>)
    %dma_wait3A_967 = arith.constant 0 : i32
    %dma_wait3A_968 = tpu.memref_slice %arg4[%multiple_of3A_492, %dma_wait3A_967] : memref<1016x128xf32, #tpu.memory_space<vmem>> -> memref<512x128xf32, #tpu.memory_space<vmem>>
    %dma_wait3A_969 = arith.constant 0 : i32
    %dma_wait3A_970 = tpu.memref_slice %arg3[%add3A_487, %dma_wait3A_969, %multiple_of3A_493] : memref<512x512x256xf32, #tpu.memory_space<hbm>> -> memref<1x512x128xf32, #tpu.memory_space<hbm>>
    %dma_wait3A_971 = tpu.memref_squeeze %dma_wait3A_970 : memref<1x512x128xf32, #tpu.memory_space<hbm>> -> memref<512x128xf32, #tpu.memory_space<hbm>>
    %dma_wait3A_972 = arith.constant 0 : i32
    %dma_wait3A_973 = tpu.memref_slice %arg3[%add3A_487, %dma_wait3A_972, %multiple_of3A_493] : memref<512x512x256xf32, #tpu.memory_space<hbm>> -> memref<1x512x128xf32, #tpu.memory_space<hbm>>
    %dma_wait3A_974 = tpu.memref_squeeze %dma_wait3A_973 : memref<1x512x128xf32, #tpu.memory_space<hbm>> -> memref<512x128xf32, #tpu.memory_space<hbm>>
    %dma_wait3A_975 = arith.constant 0 : i32
    %dma_wait3A_976 = tpu.memref_slice %arg4[%multiple_of3A_492, %dma_wait3A_975] : memref<1016x128xf32, #tpu.memory_space<vmem>> -> memref<512x128xf32, #tpu.memory_space<vmem>>
    tpu.wait_dma2 semaphore(%arg5 : memref<!tpu.dma_semaphore, #tpu.memory_space<semaphore_mem>>) src(%dma_wait3A_976 : memref<512x128xf32, #tpu.memory_space<vmem>>) dst(%dma_wait3A_974 : memref<512x128xf32, #tpu.memory_space<hbm>>)
    %dma_wait3A_977 = arith.constant 0 : i32
    %dma_wait3A_978 = tpu.memref_slice %arg4[%multiple_of3A_513, %dma_wait3A_977] : memref<1016x128xf32, #tpu.memory_space<vmem>> -> memref<512x128xf32, #tpu.memory_space<vmem>>
    %dma_wait3A_979 = arith.constant 0 : i32
    %dma_wait3A_980 = tpu.memref_slice %arg3[%add3A_508, %dma_wait3A_979, %multiple_of3A_514] : memref<512x512x256xf32, #tpu.memory_space<hbm>> -> memref<1x512x128xf32, #tpu.memory_space<hbm>>
    %dma_wait3A_981 = tpu.memref_squeeze %dma_wait3A_980 : memref<1x512x128xf32, #tpu.memory_space<hbm>> -> memref<512x128xf32, #tpu.memory_space<hbm>>
    %dma_wait3A_982 = arith.constant 0 : i32
    %dma_wait3A_983 = tpu.memref_slice %arg3[%add3A_508, %dma_wait3A_982, %multiple_of3A_514] : memref<512x512x256xf32, #tpu.memory_space<hbm>> -> memref<1x512x128xf32, #tpu.memory_space<hbm>>
    %dma_wait3A_984 = tpu.memref_squeeze %dma_wait3A_983 : memref<1x512x128xf32, #tpu.memory_space<hbm>> -> memref<512x128xf32, #tpu.memory_space<hbm>>
    %dma_wait3A_985 = arith.constant 0 : i32
    %dma_wait3A_986 = tpu.memref_slice %arg4[%multiple_of3A_513, %dma_wait3A_985] : memref<1016x128xf32, #tpu.memory_space<vmem>> -> memref<512x128xf32, #tpu.memory_space<vmem>>
    tpu.wait_dma2 semaphore(%arg5 : memref<!tpu.dma_semaphore, #tpu.memory_space<semaphore_mem>>) src(%dma_wait3A_986 : memref<512x128xf32, #tpu.memory_space<vmem>>) dst(%dma_wait3A_984 : memref<512x128xf32, #tpu.memory_space<hbm>>)
    %dma_wait3A_987 = arith.constant 0 : i32
    %dma_wait3A_988 = tpu.memref_slice %arg4[%multiple_of3A_534, %dma_wait3A_987] : memref<1016x128xf32, #tpu.memory_space<vmem>> -> memref<512x128xf32, #tpu.memory_space<vmem>>
    %dma_wait3A_989 = arith.constant 0 : i32
    %dma_wait3A_990 = tpu.memref_slice %arg3[%add3A_529, %dma_wait3A_989, %multiple_of3A_535] : memref<512x512x256xf32, #tpu.memory_space<hbm>> -> memref<1x512x128xf32, #tpu.memory_space<hbm>>
    %dma_wait3A_991 = tpu.memref_squeeze %dma_wait3A_990 : memref<1x512x128xf32, #tpu.memory_space<hbm>> -> memref<512x128xf32, #tpu.memory_space<hbm>>
    %dma_wait3A_992 = arith.constant 0 : i32
    %dma_wait3A_993 = tpu.memref_slice %arg3[%add3A_529, %dma_wait3A_992, %multiple_of3A_535] : memref<512x512x256xf32, #tpu.memory_space<hbm>> -> memref<1x512x128xf32, #tpu.memory_space<hbm>>
    %dma_wait3A_994 = tpu.memref_squeeze %dma_wait3A_993 : memref<1x512x128xf32, #tpu.memory_space<hbm>> -> memref<512x128xf32, #tpu.memory_space<hbm>>
    %dma_wait3A_995 = arith.constant 0 : i32
    %dma_wait3A_996 = tpu.memref_slice %arg4[%multiple_of3A_534, %dma_wait3A_995] : memref<1016x128xf32, #tpu.memory_space<vmem>> -> memref<512x128xf32, #tpu.memory_space<vmem>>
    tpu.wait_dma2 semaphore(%arg5 : memref<!tpu.dma_semaphore, #tpu.memory_space<semaphore_mem>>) src(%dma_wait3A_996 : memref<512x128xf32, #tpu.memory_space<vmem>>) dst(%dma_wait3A_994 : memref<512x128xf32, #tpu.memory_space<hbm>>)
    %dma_wait3A_997 = arith.constant 0 : i32
    %dma_wait3A_998 = tpu.memref_slice %arg4[%multiple_of3A_555, %dma_wait3A_997] : memref<1016x128xf32, #tpu.memory_space<vmem>> -> memref<512x128xf32, #tpu.memory_space<vmem>>
    %dma_wait3A_999 = arith.constant 0 : i32
    %dma_wait3A_1000 = tpu.memref_slice %arg3[%add3A_550, %dma_wait3A_999, %multiple_of3A_556] : memref<512x512x256xf32, #tpu.memory_space<hbm>> -> memref<1x512x128xf32, #tpu.memory_space<hbm>>
    %dma_wait3A_1001 = tpu.memref_squeeze %dma_wait3A_1000 : memref<1x512x128xf32, #tpu.memory_space<hbm>> -> memref<512x128xf32, #tpu.memory_space<hbm>>
    %dma_wait3A_1002 = arith.constant 0 : i32
    %dma_wait3A_1003 = tpu.memref_slice %arg3[%add3A_550, %dma_wait3A_1002, %multiple_of3A_556] : memref<512x512x256xf32, #tpu.memory_space<hbm>> -> memref<1x512x128xf32, #tpu.memory_space<hbm>>
    %dma_wait3A_1004 = tpu.memref_squeeze %dma_wait3A_1003 : memref<1x512x128xf32, #tpu.memory_space<hbm>> -> memref<512x128xf32, #tpu.memory_space<hbm>>
    %dma_wait3A_1005 = arith.constant 0 : i32
    %dma_wait3A_1006 = tpu.memref_slice %arg4[%multiple_of3A_555, %dma_wait3A_1005] : memref<1016x128xf32, #tpu.memory_space<vmem>> -> memref<512x128xf32, #tpu.memory_space<vmem>>
    tpu.wait_dma2 semaphore(%arg5 : memref<!tpu.dma_semaphore, #tpu.memory_space<semaphore_mem>>) src(%dma_wait3A_1006 : memref<512x128xf32, #tpu.memory_space<vmem>>) dst(%dma_wait3A_1004 : memref<512x128xf32, #tpu.memory_space<hbm>>)
    %dma_wait3A_1007 = arith.constant 0 : i32
    %dma_wait3A_1008 = tpu.memref_slice %arg4[%multiple_of3A_576, %dma_wait3A_1007] : memref<1016x128xf32, #tpu.memory_space<vmem>> -> memref<512x128xf32, #tpu.memory_space<vmem>>
    %dma_wait3A_1009 = arith.constant 0 : i32
    %dma_wait3A_1010 = tpu.memref_slice %arg3[%add3A_571, %dma_wait3A_1009, %multiple_of3A_577] : memref<512x512x256xf32, #tpu.memory_space<hbm>> -> memref<1x512x128xf32, #tpu.memory_space<hbm>>
    %dma_wait3A_1011 = tpu.memref_squeeze %dma_wait3A_1010 : memref<1x512x128xf32, #tpu.memory_space<hbm>> -> memref<512x128xf32, #tpu.memory_space<hbm>>
    %dma_wait3A_1012 = arith.constant 0 : i32
    %dma_wait3A_1013 = tpu.memref_slice %arg3[%add3A_571, %dma_wait3A_1012, %multiple_of3A_577] : memref<512x512x256xf32, #tpu.memory_space<hbm>> -> memref<1x512x128xf32, #tpu.memory_space<hbm>>
    %dma_wait3A_1014 = tpu.memref_squeeze %dma_wait3A_1013 : memref<1x512x128xf32, #tpu.memory_space<hbm>> -> memref<512x128xf32, #tpu.memory_space<hbm>>
    %dma_wait3A_1015 = arith.constant 0 : i32
    %dma_wait3A_1016 = tpu.memref_slice %arg4[%multiple_of3A_576, %dma_wait3A_1015] : memref<1016x128xf32, #tpu.memory_space<vmem>> -> memref<512x128xf32, #tpu.memory_space<vmem>>
    tpu.wait_dma2 semaphore(%arg5 : memref<!tpu.dma_semaphore, #tpu.memory_space<semaphore_mem>>) src(%dma_wait3A_1016 : memref<512x128xf32, #tpu.memory_space<vmem>>) dst(%dma_wait3A_1014 : memref<512x128xf32, #tpu.memory_space<hbm>>)
    %dma_wait3A_1017 = arith.constant 0 : i32
    %dma_wait3A_1018 = tpu.memref_slice %arg4[%multiple_of3A_597, %dma_wait3A_1017] : memref<1016x128xf32, #tpu.memory_space<vmem>> -> memref<512x128xf32, #tpu.memory_space<vmem>>
    %dma_wait3A_1019 = arith.constant 0 : i32
    %dma_wait3A_1020 = tpu.memref_slice %arg3[%add3A_592, %dma_wait3A_1019, %multiple_of3A_598] : memref<512x512x256xf32, #tpu.memory_space<hbm>> -> memref<1x512x128xf32, #tpu.memory_space<hbm>>
    %dma_wait3A_1021 = tpu.memref_squeeze %dma_wait3A_1020 : memref<1x512x128xf32, #tpu.memory_space<hbm>> -> memref<512x128xf32, #tpu.memory_space<hbm>>
    %dma_wait3A_1022 = arith.constant 0 : i32
    %dma_wait3A_1023 = tpu.memref_slice %arg3[%add3A_592, %dma_wait3A_1022, %multiple_of3A_598] : memref<512x512x256xf32, #tpu.memory_space<hbm>> -> memref<1x512x128xf32, #tpu.memory_space<hbm>>
    %dma_wait3A_1024 = tpu.memref_squeeze %dma_wait3A_1023 : memref<1x512x128xf32, #tpu.memory_space<hbm>> -> memref<512x128xf32, #tpu.memory_space<hbm>>
    %dma_wait3A_1025 = arith.constant 0 : i32
    %dma_wait3A_1026 = tpu.memref_slice %arg4[%multiple_of3A_597, %dma_wait3A_1025] : memref<1016x128xf32, #tpu.memory_space<vmem>> -> memref<512x128xf32, #tpu.memory_space<vmem>>
    tpu.wait_dma2 semaphore(%arg5 : memref<!tpu.dma_semaphore, #tpu.memory_space<semaphore_mem>>) src(%dma_wait3A_1026 : memref<512x128xf32, #tpu.memory_space<vmem>>) dst(%dma_wait3A_1024 : memref<512x128xf32, #tpu.memory_space<hbm>>)
    %dma_wait3A_1027 = arith.constant 0 : i32
    %dma_wait3A_1028 = tpu.memref_slice %arg4[%multiple_of3A_618, %dma_wait3A_1027] : memref<1016x128xf32, #tpu.memory_space<vmem>> -> memref<512x128xf32, #tpu.memory_space<vmem>>
    %dma_wait3A_1029 = arith.constant 0 : i32
    %dma_wait3A_1030 = tpu.memref_slice %arg3[%add3A_613, %dma_wait3A_1029, %multiple_of3A_619] : memref<512x512x256xf32, #tpu.memory_space<hbm>> -> memref<1x512x128xf32, #tpu.memory_space<hbm>>
    %dma_wait3A_1031 = tpu.memref_squeeze %dma_wait3A_1030 : memref<1x512x128xf32, #tpu.memory_space<hbm>> -> memref<512x128xf32, #tpu.memory_space<hbm>>
    %dma_wait3A_1032 = arith.constant 0 : i32
    %dma_wait3A_1033 = tpu.memref_slice %arg3[%add3A_613, %dma_wait3A_1032, %multiple_of3A_619] : memref<512x512x256xf32, #tpu.memory_space<hbm>> -> memref<1x512x128xf32, #tpu.memory_space<hbm>>
    %dma_wait3A_1034 = tpu.memref_squeeze %dma_wait3A_1033 : memref<1x512x128xf32, #tpu.memory_space<hbm>> -> memref<512x128xf32, #tpu.memory_space<hbm>>
    %dma_wait3A_1035 = arith.constant 0 : i32
    %dma_wait3A_1036 = tpu.memref_slice %arg4[%multiple_of3A_618, %dma_wait3A_1035] : memref<1016x128xf32, #tpu.memory_space<vmem>> -> memref<512x128xf32, #tpu.memory_space<vmem>>
    tpu.wait_dma2 semaphore(%arg5 : memref<!tpu.dma_semaphore, #tpu.memory_space<semaphore_mem>>) src(%dma_wait3A_1036 : memref<512x128xf32, #tpu.memory_space<vmem>>) dst(%dma_wait3A_1034 : memref<512x128xf32, #tpu.memory_space<hbm>>)
    %dma_wait3A_1037 = arith.constant 0 : i32
    %dma_wait3A_1038 = tpu.memref_slice %arg4[%multiple_of3A_639, %dma_wait3A_1037] : memref<1016x128xf32, #tpu.memory_space<vmem>> -> memref<512x128xf32, #tpu.memory_space<vmem>>
    %dma_wait3A_1039 = arith.constant 0 : i32
    %dma_wait3A_1040 = tpu.memref_slice %arg3[%add3A_634, %dma_wait3A_1039, %multiple_of3A_640] : memref<512x512x256xf32, #tpu.memory_space<hbm>> -> memref<1x512x128xf32, #tpu.memory_space<hbm>>
    %dma_wait3A_1041 = tpu.memref_squeeze %dma_wait3A_1040 : memref<1x512x128xf32, #tpu.memory_space<hbm>> -> memref<512x128xf32, #tpu.memory_space<hbm>>
    %dma_wait3A_1042 = arith.constant 0 : i32
    %dma_wait3A_1043 = tpu.memref_slice %arg3[%add3A_634, %dma_wait3A_1042, %multiple_of3A_640] : memref<512x512x256xf32, #tpu.memory_space<hbm>> -> memref<1x512x128xf32, #tpu.memory_space<hbm>>
    %dma_wait3A_1044 = tpu.memref_squeeze %dma_wait3A_1043 : memref<1x512x128xf32, #tpu.memory_space<hbm>> -> memref<512x128xf32, #tpu.memory_space<hbm>>
    %dma_wait3A_1045 = arith.constant 0 : i32
    %dma_wait3A_1046 = tpu.memref_slice %arg4[%multiple_of3A_639, %dma_wait3A_1045] : memref<1016x128xf32, #tpu.memory_space<vmem>> -> memref<512x128xf32, #tpu.memory_space<vmem>>
    tpu.wait_dma2 semaphore(%arg5 : memref<!tpu.dma_semaphore, #tpu.memory_space<semaphore_mem>>) src(%dma_wait3A_1046 : memref<512x128xf32, #tpu.memory_space<vmem>>) dst(%dma_wait3A_1044 : memref<512x128xf32, #tpu.memory_space<hbm>>)
    %dma_wait3A_1047 = arith.constant 0 : i32
    %dma_wait3A_1048 = tpu.memref_slice %arg4[%multiple_of3A_660, %dma_wait3A_1047] : memref<1016x128xf32, #tpu.memory_space<vmem>> -> memref<512x128xf32, #tpu.memory_space<vmem>>
    %dma_wait3A_1049 = arith.constant 0 : i32
    %dma_wait3A_1050 = tpu.memref_slice %arg3[%add3A_655, %dma_wait3A_1049, %multiple_of3A_661] : memref<512x512x256xf32, #tpu.memory_space<hbm>> -> memref<1x512x128xf32, #tpu.memory_space<hbm>>
    %dma_wait3A_1051 = tpu.memref_squeeze %dma_wait3A_1050 : memref<1x512x128xf32, #tpu.memory_space<hbm>> -> memref<512x128xf32, #tpu.memory_space<hbm>>
    %dma_wait3A_1052 = arith.constant 0 : i32
    %dma_wait3A_1053 = tpu.memref_slice %arg3[%add3A_655, %dma_wait3A_1052, %multiple_of3A_661] : memref<512x512x256xf32, #tpu.memory_space<hbm>> -> memref<1x512x128xf32, #tpu.memory_space<hbm>>
    %dma_wait3A_1054 = tpu.memref_squeeze %dma_wait3A_1053 : memref<1x512x128xf32, #tpu.memory_space<hbm>> -> memref<512x128xf32, #tpu.memory_space<hbm>>
    %dma_wait3A_1055 = arith.constant 0 : i32
    %dma_wait3A_1056 = tpu.memref_slice %arg4[%multiple_of3A_660, %dma_wait3A_1055] : memref<1016x128xf32, #tpu.memory_space<vmem>> -> memref<512x128xf32, #tpu.memory_space<vmem>>
    tpu.wait_dma2 semaphore(%arg5 : memref<!tpu.dma_semaphore, #tpu.memory_space<semaphore_mem>>) src(%dma_wait3A_1056 : memref<512x128xf32, #tpu.memory_space<vmem>>) dst(%dma_wait3A_1054 : memref<512x128xf32, #tpu.memory_space<hbm>>)
    %dma_wait3A_1057 = arith.constant 0 : i32
    %dma_wait3A_1058 = tpu.memref_slice %arg4[%multiple_of3A_681, %dma_wait3A_1057] : memref<1016x128xf32, #tpu.memory_space<vmem>> -> memref<512x128xf32, #tpu.memory_space<vmem>>
    %dma_wait3A_1059 = arith.constant 0 : i32
    %dma_wait3A_1060 = tpu.memref_slice %arg3[%add3A_676, %dma_wait3A_1059, %multiple_of3A_682] : memref<512x512x256xf32, #tpu.memory_space<hbm>> -> memref<1x512x128xf32, #tpu.memory_space<hbm>>
    %dma_wait3A_1061 = tpu.memref_squeeze %dma_wait3A_1060 : memref<1x512x128xf32, #tpu.memory_space<hbm>> -> memref<512x128xf32, #tpu.memory_space<hbm>>
    %dma_wait3A_1062 = arith.constant 0 : i32
    %dma_wait3A_1063 = tpu.memref_slice %arg3[%add3A_676, %dma_wait3A_1062, %multiple_of3A_682] : memref<512x512x256xf32, #tpu.memory_space<hbm>> -> memref<1x512x128xf32, #tpu.memory_space<hbm>>
    %dma_wait3A_1064 = tpu.memref_squeeze %dma_wait3A_1063 : memref<1x512x128xf32, #tpu.memory_space<hbm>> -> memref<512x128xf32, #tpu.memory_space<hbm>>
    %dma_wait3A_1065 = arith.constant 0 : i32
    %dma_wait3A_1066 = tpu.memref_slice %arg4[%multiple_of3A_681, %dma_wait3A_1065] : memref<1016x128xf32, #tpu.memory_space<vmem>> -> memref<512x128xf32, #tpu.memory_space<vmem>>
    tpu.wait_dma2 semaphore(%arg5 : memref<!tpu.dma_semaphore, #tpu.memory_space<semaphore_mem>>) src(%dma_wait3A_1066 : memref<512x128xf32, #tpu.memory_space<vmem>>) dst(%dma_wait3A_1064 : memref<512x128xf32, #tpu.memory_space<hbm>>)
    %dma_wait3A_1067 = arith.constant 0 : i32
    %dma_wait3A_1068 = tpu.memref_slice %arg4[%multiple_of3A_702, %dma_wait3A_1067] : memref<1016x128xf32, #tpu.memory_space<vmem>> -> memref<512x128xf32, #tpu.memory_space<vmem>>
    %dma_wait3A_1069 = arith.constant 0 : i32
    %dma_wait3A_1070 = tpu.memref_slice %arg3[%add3A_697, %dma_wait3A_1069, %multiple_of3A_703] : memref<512x512x256xf32, #tpu.memory_space<hbm>> -> memref<1x512x128xf32, #tpu.memory_space<hbm>>
    %dma_wait3A_1071 = tpu.memref_squeeze %dma_wait3A_1070 : memref<1x512x128xf32, #tpu.memory_space<hbm>> -> memref<512x128xf32, #tpu.memory_space<hbm>>
    %dma_wait3A_1072 = arith.constant 0 : i32
    %dma_wait3A_1073 = tpu.memref_slice %arg3[%add3A_697, %dma_wait3A_1072, %multiple_of3A_703] : memref<512x512x256xf32, #tpu.memory_space<hbm>> -> memref<1x512x128xf32, #tpu.memory_space<hbm>>
    %dma_wait3A_1074 = tpu.memref_squeeze %dma_wait3A_1073 : memref<1x512x128xf32, #tpu.memory_space<hbm>> -> memref<512x128xf32, #tpu.memory_space<hbm>>
    %dma_wait3A_1075 = arith.constant 0 : i32
    %dma_wait3A_1076 = tpu.memref_slice %arg4[%multiple_of3A_702, %dma_wait3A_1075] : memref<1016x128xf32, #tpu.memory_space<vmem>> -> memref<512x128xf32, #tpu.memory_space<vmem>>
    tpu.wait_dma2 semaphore(%arg5 : memref<!tpu.dma_semaphore, #tpu.memory_space<semaphore_mem>>) src(%dma_wait3A_1076 : memref<512x128xf32, #tpu.memory_space<vmem>>) dst(%dma_wait3A_1074 : memref<512x128xf32, #tpu.memory_space<hbm>>)
    %dma_wait3A_1077 = arith.constant 0 : i32
    %dma_wait3A_1078 = tpu.memref_slice %arg4[%multiple_of3A_723, %dma_wait3A_1077] : memref<1016x128xf32, #tpu.memory_space<vmem>> -> memref<512x128xf32, #tpu.memory_space<vmem>>
    %dma_wait3A_1079 = arith.constant 0 : i32
    %dma_wait3A_1080 = tpu.memref_slice %arg3[%add3A_718, %dma_wait3A_1079, %multiple_of3A_724] : memref<512x512x256xf32, #tpu.memory_space<hbm>> -> memref<1x512x128xf32, #tpu.memory_space<hbm>>
    %dma_wait3A_1081 = tpu.memref_squeeze %dma_wait3A_1080 : memref<1x512x128xf32, #tpu.memory_space<hbm>> -> memref<512x128xf32, #tpu.memory_space<hbm>>
    %dma_wait3A_1082 = arith.constant 0 : i32
    %dma_wait3A_1083 = tpu.memref_slice %arg3[%add3A_718, %dma_wait3A_1082, %multiple_of3A_724] : memref<512x512x256xf32, #tpu.memory_space<hbm>> -> memref<1x512x128xf32, #tpu.memory_space<hbm>>
    %dma_wait3A_1084 = tpu.memref_squeeze %dma_wait3A_1083 : memref<1x512x128xf32, #tpu.memory_space<hbm>> -> memref<512x128xf32, #tpu.memory_space<hbm>>
    %dma_wait3A_1085 = arith.constant 0 : i32
    %dma_wait3A_1086 = tpu.memref_slice %arg4[%multiple_of3A_723, %dma_wait3A_1085] : memref<1016x128xf32, #tpu.memory_space<vmem>> -> memref<512x128xf32, #tpu.memory_space<vmem>>
    tpu.wait_dma2 semaphore(%arg5 : memref<!tpu.dma_semaphore, #tpu.memory_space<semaphore_mem>>) src(%dma_wait3A_1086 : memref<512x128xf32, #tpu.memory_space<vmem>>) dst(%dma_wait3A_1084 : memref<512x128xf32, #tpu.memory_space<hbm>>)
    %dma_wait3A_1087 = arith.constant 0 : i32
    %dma_wait3A_1088 = tpu.memref_slice %arg4[%multiple_of3A_744, %dma_wait3A_1087] : memref<1016x128xf32, #tpu.memory_space<vmem>> -> memref<512x128xf32, #tpu.memory_space<vmem>>
    %dma_wait3A_1089 = arith.constant 0 : i32
    %dma_wait3A_1090 = tpu.memref_slice %arg3[%add3A_739, %dma_wait3A_1089, %multiple_of3A_745] : memref<512x512x256xf32, #tpu.memory_space<hbm>> -> memref<1x512x128xf32, #tpu.memory_space<hbm>>
    %dma_wait3A_1091 = tpu.memref_squeeze %dma_wait3A_1090 : memref<1x512x128xf32, #tpu.memory_space<hbm>> -> memref<512x128xf32, #tpu.memory_space<hbm>>
    %dma_wait3A_1092 = arith.constant 0 : i32
    %dma_wait3A_1093 = tpu.memref_slice %arg3[%add3A_739, %dma_wait3A_1092, %multiple_of3A_745] : memref<512x512x256xf32, #tpu.memory_space<hbm>> -> memref<1x512x128xf32, #tpu.memory_space<hbm>>
    %dma_wait3A_1094 = tpu.memref_squeeze %dma_wait3A_1093 : memref<1x512x128xf32, #tpu.memory_space<hbm>> -> memref<512x128xf32, #tpu.memory_space<hbm>>
    %dma_wait3A_1095 = arith.constant 0 : i32
    %dma_wait3A_1096 = tpu.memref_slice %arg4[%multiple_of3A_744, %dma_wait3A_1095] : memref<1016x128xf32, #tpu.memory_space<vmem>> -> memref<512x128xf32, #tpu.memory_space<vmem>>
    tpu.wait_dma2 semaphore(%arg5 : memref<!tpu.dma_semaphore, #tpu.memory_space<semaphore_mem>>) src(%dma_wait3A_1096 : memref<512x128xf32, #tpu.memory_space<vmem>>) dst(%dma_wait3A_1094 : memref<512x128xf32, #tpu.memory_space<hbm>>)
    %dma_wait3A_1097 = arith.constant 0 : i32
    %dma_wait3A_1098 = tpu.memref_slice %arg4[%multiple_of3A_765, %dma_wait3A_1097] : memref<1016x128xf32, #tpu.memory_space<vmem>> -> memref<512x128xf32, #tpu.memory_space<vmem>>
    %dma_wait3A_1099 = arith.constant 0 : i32
    %dma_wait3A_1100 = tpu.memref_slice %arg3[%add3A_760, %dma_wait3A_1099, %multiple_of3A_766] : memref<512x512x256xf32, #tpu.memory_space<hbm>> -> memref<1x512x128xf32, #tpu.memory_space<hbm>>
    %dma_wait3A_1101 = tpu.memref_squeeze %dma_wait3A_1100 : memref<1x512x128xf32, #tpu.memory_space<hbm>> -> memref<512x128xf32, #tpu.memory_space<hbm>>
    %dma_wait3A_1102 = arith.constant 0 : i32
    %dma_wait3A_1103 = tpu.memref_slice %arg3[%add3A_760, %dma_wait3A_1102, %multiple_of3A_766] : memref<512x512x256xf32, #tpu.memory_space<hbm>> -> memref<1x512x128xf32, #tpu.memory_space<hbm>>
    %dma_wait3A_1104 = tpu.memref_squeeze %dma_wait3A_1103 : memref<1x512x128xf32, #tpu.memory_space<hbm>> -> memref<512x128xf32, #tpu.memory_space<hbm>>
    %dma_wait3A_1105 = arith.constant 0 : i32
    %dma_wait3A_1106 = tpu.memref_slice %arg4[%multiple_of3A_765, %dma_wait3A_1105] : memref<1016x128xf32, #tpu.memory_space<vmem>> -> memref<512x128xf32, #tpu.memory_space<vmem>>
    tpu.wait_dma2 semaphore(%arg5 : memref<!tpu.dma_semaphore, #tpu.memory_space<semaphore_mem>>) src(%dma_wait3A_1106 : memref<512x128xf32, #tpu.memory_space<vmem>>) dst(%dma_wait3A_1104 : memref<512x128xf32, #tpu.memory_space<hbm>>)
    %dma_wait3A_1107 = arith.constant 0 : i32
    %dma_wait3A_1108 = tpu.memref_slice %arg4[%multiple_of3A_786, %dma_wait3A_1107] : memref<1016x128xf32, #tpu.memory_space<vmem>> -> memref<512x128xf32, #tpu.memory_space<vmem>>
    %dma_wait3A_1109 = arith.constant 0 : i32
    %dma_wait3A_1110 = tpu.memref_slice %arg3[%add3A_781, %dma_wait3A_1109, %multiple_of3A_787] : memref<512x512x256xf32, #tpu.memory_space<hbm>> -> memref<1x512x128xf32, #tpu.memory_space<hbm>>
    %dma_wait3A_1111 = tpu.memref_squeeze %dma_wait3A_1110 : memref<1x512x128xf32, #tpu.memory_space<hbm>> -> memref<512x128xf32, #tpu.memory_space<hbm>>
    %dma_wait3A_1112 = arith.constant 0 : i32
    %dma_wait3A_1113 = tpu.memref_slice %arg3[%add3A_781, %dma_wait3A_1112, %multiple_of3A_787] : memref<512x512x256xf32, #tpu.memory_space<hbm>> -> memref<1x512x128xf32, #tpu.memory_space<hbm>>
    %dma_wait3A_1114 = tpu.memref_squeeze %dma_wait3A_1113 : memref<1x512x128xf32, #tpu.memory_space<hbm>> -> memref<512x128xf32, #tpu.memory_space<hbm>>
    %dma_wait3A_1115 = arith.constant 0 : i32
    %dma_wait3A_1116 = tpu.memref_slice %arg4[%multiple_of3A_786, %dma_wait3A_1115] : memref<1016x128xf32, #tpu.memory_space<vmem>> -> memref<512x128xf32, #tpu.memory_space<vmem>>
    tpu.wait_dma2 semaphore(%arg5 : memref<!tpu.dma_semaphore, #tpu.memory_space<semaphore_mem>>) src(%dma_wait3A_1116 : memref<512x128xf32, #tpu.memory_space<vmem>>) dst(%dma_wait3A_1114 : memref<512x128xf32, #tpu.memory_space<hbm>>)
    return
  }
}

</mosaic_0001>

<sc_bundles>
// kernel: _rel_pos_gather.3.cloned.1.call-start
scs
__scs_entry_jumppad:
0x0: {  	(pc) =	sbr.rel $0x88, $3  }
0x1: {  	(tag) =	ssettag $0x0;
	lr =	simm.s32 $0x1  }
0x2: {  	[smem:$0x3FA0] =	sst lr;
	_ =	strace $0xD0000000  }
0x3: {  	_ = 	snop  }
0x4: {  	_ = 	snop  }
0x5: {  	_ = 	snop  }
0x6: {  	_ = 	snop  }
0x7: {  	_ = 	snop  }
__scs_overlays_trampoline_lowered:
0x8: {  	[smem:$0x3FAF] =	sst s0  }
0x9: {  	[smem:$0x3FB0] =	sst s1  }
0xa: {  	[smem:$0x3FB1] =	sst s2  }
0xb: {  	[smem:$0x3FB2] =	sst s3  }
0xc: {  	[smem:$0x3FB3] =	sst s4  }
0xd: {  	[smem:$0x3FB4] =	sst s5  }
0xe: {  	[smem:$0x3FB5] =	sst s6  }
0xf: {  	[smem:$0x3FB6] =	sst s7  }
0x10: {  	[smem:$0x3FB7] =	sst s8  }
0x11: {  	[smem:$0x3FB8] =	sst s9;
	s0 =	simm.s32 @!p0 $0x0  }
0x12: {  	s1 =	sld [smem:$0x3F9E];
	s0 =	simm.s32 @p0 $0x1  }
0x13: {  	[smem:$0x3FB9] =	sst s0;
	s0 =	simm.s32 @!p1 $0x0  }
0x14: {  	s2 =	sld [smem:$0x3F9D];
	s0 =	simm.s32 @p1 $0x1  }
0x15: {  	[smem:$0x3FBA] =	sst s0;
	s0 =	simm.s32 @!p2 $0x0  }
0x16: {  	s3 =	sld [smem:$0x3FDB];
	s0 =	simm.s32 @p2 $0x1  }
0x17: {  	s4 =	simm.s32 $0x1BF5;
	[smem:$0x3FBC] =	sst s0  }
0x18: {  	s0 =	sld [smem:$0x3F9F];
	_ =	swait.ge [sflag:s4], $0x0  }
0x19: {  	s7 =	sld [smem:$0x3FA0]  }
0x1a: {  	s8 =	sadd.s32 $0xFFFFE003, lr  }
0x1b: {  	s9 =	sadd.s32 $0xFFFFFEF7, lr;
	s5 =	simm.s32 $0xFFFFFFFF;
	p2 =	slt.u32 s8, $0xFFFFF086  }
0x1c: {  	p1 =	slt.u32 s9, $0xF7A;
	s5 =	simm.s32 @!p2 $0x0  }
0x1d: {  	s5 =	simm.s32 @p1 $0x1;
	p0 =	seq.s32 s7, s2  }
0x1e: {  	s7 =	smul.u32 @!p0 $0xF7A, s2;
	p2 =	seq.s32 @!p0 s5, $0x0  }
0x1f: {  	s9 =	smul.u32 $0xF7A, s1;
	s8 =	simm.s32 @!p0 $0x1BF5;
	p2 =	por !p2, p0  }
0x20: {  	[sflag:s8] =	ssyncset.s32 @!p0 $0xFFFFF086;
	s6 =	sadd.s32 @!p0 s3, s7;
	s7 =	simm.s32 @!p0 $0x108  }
0x21: {  	s3 =	sadd.s32 s3, s9;
	s6 =	sadd.s32 @!p0 $0x88, s6;
	s7 =	simm.s32 @p2 $0x1082  }
0x22: {  	[simem:s7], [sflag:s8] =	dma.local @!p0 [hbm:s6], $0xF7A  }
0x23: {  	s9 =	sor.u32 $0xD0000000, s2;
	s6 =	simm.s32 $0x108;
	_ =	swait.ge @!p0 [sflag:s8], $0x0  }
0x24: {  	s3 =	sadd.s32 $0x88, s3;
	s6 =	simm.s32 @!p1 $0x1082;
	[sflag:s4] =	ssyncset.s32 $0xFFFFF086  }
0x25: {  	[simem:s6], [sflag:s4] =	dma.local [hbm:s3], $0xF7A  }
0x26: {  	[smem:$0x3FA0] =	sst s1;
	(tag) =	ssettag s2;
	_ =	strace s9  }
0x27: {  	s1 =	sld [smem:$0x3FB0]  }
0x28: {  	s2 =	sld [smem:$0x3FB1]  }
0x29: {  	s4 =	sld [smem:$0x3FB3]  }
0x2a: {  	p0 =	seq.s32 s5, $0x0;
	s5 =	sld [smem:$0x3FB4]  }
0x2b: {  	s6 =	sld [smem:$0x3FB5]  }
0x2c: {  	s7 =	sld [smem:$0x3FB6]  }
0x2d: {  	s3 =	simm.s32 $0x108;
	s8 =	sld [smem:$0x3FB7]  }
0x2e: {  	s3 =	simm.s32 @!p0 $0x1082;
	s9 =	sld [smem:$0x3FB8]  }
0x2f: {  	lr =	sadd.s32 s0, s3;
	s0 =	sld [smem:$0x3FAF]  }
0x30: {  	s3 =	sld [smem:$0x3FB2]  }
0x31: {  	[smem:$0x3FBB] =	sst s10  }
0x32: {  	s10 =	sld [smem:$0x3FB9];
	_ =	sdelay $0x3  }
0x33: {  	p0 =	seq.s32 s10, $0x1;
	s10 =	sld [smem:$0x3FBB];
	_ =	sdelay $0x3  }
0x34: {  	[smem:$0x3FBB] =	sst s10  }
0x35: {  	s10 =	sld [smem:$0x3FBA];
	_ =	sdelay $0x3  }
0x36: {  	p1 =	seq.s32 s10, $0x1;
	s10 =	sld [smem:$0x3FBB];
	_ =	sdelay $0x3  }
0x37: {  	[smem:$0x3FBB] =	sst s10  }
0x38: {  	s10 =	sld [smem:$0x3FBC]  }
0x39: {  	_ = 	snop;
	(pc) =	sbr.ind lr, $3  }
0x3a: {  	_ = 	snop  }
0x3b: {  	_ = 	snop  }
0x3c: {  	p2 =	seq.s32 s10, $0x1;
	s10 =	sld [smem:$0x3FBB]  }
0x3d: {  	_ =	shalt  }
0x3e: {  	_ =	shalt  }
0x3f: {  	_ =	shalt  }
0x40: {  	_ =	shalt  }
0x41: {  	_ =	shalt  }
0x42: {  	_ =	shalt  }
0x43: {  	_ =	shalt  }
0x44: {  	_ =	shalt  }
0x45: {  	_ =	shalt  }
0x46: {  	_ =	shalt  }
0x47: {  	_ =	shalt  }
0x48: {  	_ =	shalt  }
0x49: {  	_ =	shalt  }
0x4a: {  	_ =	shalt  }
0x4b: {  	_ =	shalt  }
0x4c: {  	_ =	shalt  }
0x4d: {  	_ =	shalt  }
0x4e: {  	_ =	shalt  }
0x4f: {  	_ =	shalt  }
0x50: {  	_ =	shalt  }
0x51: {  	_ =	shalt  }
0x52: {  	_ =	shalt  }
0x53: {  	_ =	shalt  }
0x54: {  	_ =	shalt  }
0x55: {  	_ =	shalt  }
0x56: {  	_ =	shalt  }
0x57: {  	_ =	shalt  }
0x58: {  	_ =	shalt  }
0x59: {  	_ =	shalt  }
0x5a: {  	_ =	shalt  }
0x5b: {  	_ =	shalt  }
0x5c: {  	_ =	shalt  }
0x5d: {  	_ =	shalt  }
0x5e: {  	_ =	shalt  }
0x5f: {  	_ =	shalt  }
0x60: {  	_ =	shalt  }
0x61: {  	_ =	shalt  }
0x62: {  	_ =	shalt  }
0x63: {  	_ =	shalt  }
0x64: {  	_ =	shalt  }
0x65: {  	_ =	shalt  }
0x66: {  	_ =	shalt  }
0x67: {  	_ =	shalt  }
0x68: {  	_ =	shalt  }
0x69: {  	_ =	shalt  }
0x6a: {  	_ =	shalt  }
0x6b: {  	_ =	shalt  }
0x6c: {  	_ =	shalt  }
0x6d: {  	_ =	shalt  }
0x6e: {  	_ =	shalt  }
0x6f: {  	_ =	shalt  }
0x70: {  	_ =	shalt  }
0x71: {  	_ =	shalt  }
0x72: {  	_ =	shalt  }
0x73: {  	_ =	shalt  }
0x74: {  	_ =	shalt  }
0x75: {  	_ =	shalt  }
0x76: {  	_ =	shalt  }
0x77: {  	_ =	shalt  }
0x78: {  	_ =	shalt  }
0x79: {  	_ =	shalt  }
0x7a: {  	_ =	shalt  }
0x7b: {  	_ =	shalt  }
0x7c: {  	_ =	shalt  }
0x7d: {  	_ =	shalt  }
0x7e: {  	_ =	shalt  }
0x7f: {  	_ =	shalt  }
0x80: {  	_ =	shalt  }
0x81: {  	_ =	shalt  }
0x82: {  	_ =	shalt  }
0x83: {  	_ =	shalt  }
0x84: {  	_ =	shalt  }
0x85: {  	_ =	shalt  }
0x86: {  	_ =	shalt  }
0x87: {  	_ =	shalt  }
.Lfunc_end0:
.L_simem_size_0:
called_computation_lowered:
.L_overlay_start_0:
0x88: {  	s2 =	sld [smem:$0x3FD9]  }
0x89: {  	s3 =	sld [smem:$0x3FFE];
	_ =	sdelay $0x1  }
0x8a: {  	s1 =	srdreg.scid  }
0x8b: {  	s0 =	sand.u32 $0x1, s1  }
0x8c: {  	s17 =	sshll.u32 s0, $0xA;
	s2 =	sadd.s32 s3, s2  }
0x8d: {  	s2 =	sadd.s32 s2, s17  }
0x8e: {  	[smem:$0x3FC7] =	sst s2  }
0x8f: {  	_ = 	snop  }
0x90: {  	s2 =	sld [smem:$0x3FD0];
	(tm) =	ssettm $0x1  }
0x91: {  	s18 =	sld [smem:$0x3FFB];
	_ =	sdelay $0x3  }
0x92: {  	_ =	strace s18  }
0x93: {  	s3 =	sld [smem:$0x3FFC];
	_ =	sdelay $0x3  }
0x94: {  	_ =	strace s3  }
0x95: {  	s3 =	sld [smem:$0x3FFD];
	_ =	sdelay $0x3  }
0x96: {  	_ =	strace s3  }
0x97: {  	_ =	strace $0x8FFFFFFF  }
0x98: {  	s19 =	sld [smem:$0x3FDB];
	_ =	sdelay $0x1  }
0x99: {  	s4 =	simm.s32 $_scs_section_size  }
0x9a: {  	s5 =	simm.s32 $_size__tile_overlayer_lowered;
	s6 =	simm.s32 $_tile_overlayer_lowered  }
0x9b: {  	s22 =	simm.s32 $0x1BFF;
	s21 =	sshll.u32 s6, $0x1;
	s3 =	sadd.s32 s4, s19  }
0x9c: {  	s7 =	simm.s32 $0x0;
	s20 =	sshll.u32 s5, $0x1;
	s5 =	sadd.s32 s21, s3  }
0x9d: {  	[timem:s7], [sflag:s22] =	dma.local [hbm:s5], s20  }
0x9e: {  	_ =	swait.ge [sflag:s22], s20  }
0x9f: {  	s4 =	ssub.s32 $0x0, s20;
	[sflag:s22] =	ssyncset.done $0x0  }
0xa0: {  	[sflag:s22] =	ssyncadd.s32 s4;
	_ =	sdelay $0x1  }
0xa1: {  	s23 =	simm.s32 $0x1B8B  }
0xa2: {  	_ =	swait.ge [sflag:s23], $0x1  }
0xa3: {  	[sflag:s23] =	ssyncset.done $0x0  }
0xa4: {  	s25 =	simm.s32 $0x1B8E;
	s24 =	sld [smem:$0x3FFE];
	[sflag:s23] =	ssyncadd.s32 $0xFFFFFFFF  }
0xa5: {  	s26 =	simm.s32 $execute0_lowered;
	[smem:$0x3FD2] =	sst s25  }
0xa6: {  	s5 =	sshll.u32 s26, $0x1;
	_ =	strace $0x80000046;
	[dreg:$0x1] =	wrdreg $0xFFFFFFFF  }
0xa7: {  	s28 =	simm.s32 $_size_execute0_lowered;
	s3 =	sadd.s32 s3, s5;
	[dreg:$0x0] =	wrdreg $0x0  }
0xa8: {  	s5 =	sshll.u32 s28, $0x1;
	[dreg:$0x2] =	wrdreg s3  }
0xa9: {  	[dreg:$0x3] =	wrdreg s5  }
0xaa: {  	[dreg:$0x4] =	wrdreg $0xC0  }
0xab: {  	_ =	task [dreg:s7], $0x5FFFF  }
0xac: {  	[dreg:$0x1] =	wrdreg $0xFFFFFFFF  }
0xad: {  	[dreg:$0x0] =	wrdreg $0x60  }
0xae: {  	[dreg:$0x2] =	wrdreg s24  }
0xaf: {  	[dreg:$0x3] =	wrdreg s2  }
0xb0: {  	[dreg:$0x4] =	wrdreg $0x9  }
0xb1: {  	_ =	task.clear_ibuf [dreg:s7], $0x5FFFF;
	_ =	strace $0x90000046  }
0xb2: {  	s29 =	simm.s32 $0x9;
	_ =	strace $0x80000048  }
0xb3: {  	_ =	swait.ge [sflag:s29], $0x1  }
0xb4: {  	[sflag:s29] =	ssyncadd.s32 $0xFFFFFFFF  }
0xb5: {  	_ =	strace $0x90000048  }
0xb6: {  	_ =	sfence  }
0xb7: {  	s30 =	sld [smem:$0x0];
	_ =	sdelay $0x2  }
0xb8: {  	s31 =	sshll.u32 s1, $0xD;
	s1 =	sshrl.u32 s1, $0x2  }
0xb9: {  	s3 =	sand.u32 $0x4000, s31;
	s1 =	sadd.s32 s1, s30  }
0xba: {  	s0 =	sor.u32 s3, s0;
	s1 =	sshll.u32 s1, $0x11  }
0xbb: {  	s0 =	sor.u32 s1, s0  }
0xbc: {  	s0 =	sadd.s32 $0x8F2B, s0  }
0xbd: {  	[sflag:s0] =	ssyncadd.remote.s32 $0x1  }
0xbe: {  	_ =	sfence.sel $0xFFFF  }
0xbf: {  	[dreg:$0x0] =	wrdreg $0xFFFFFFFF;
	(pc) =	sbr.abs _section_cstart, $3  }
0xc0: {  	[dreg:$0x1] =	wrdreg $0xFFFFFFFF  }
0xc1: {  	_ =	task.clear_ibuf [dreg:s7], $0x2FFFF;
	_ =	strace $0x9FFFFFFF  }
0xc2: {  	(tm) =	ssettm $0x7FFFFFFF  }
0xc3: {  	_ =	shalt  }
tec
execute0_lowered:
.L_overlay_start_1:
0x0: {  	(tag) =	ssettag $0x1  }
0x1: {  	s0 =	rddreg [dreg:$0x0]  }
0x2: {  	s3 =	srdreg.scid;
	s4 =	stileid.u32  }
0x3: {  	s1 =	rddreg [dreg:$0x1];
	s3 =	sand.u32 $0x1, s3;
	s8 =	sand.u32 $0x1, s4  }
0x4: {  	s5 =	sshrl.u32 s4, $0x1;
	s6 =	sshll.u32 s3, $0x7;
	s7 =	sshll.u32 s8, $0x8  }
0x5: {  	s2 =	simm.s32 $0x0;
	s0 =	sadd.s32 s6, s0;
	s9 =	sor.u32 s5, s7  }
0x6: {  	[smem:$0x7FF] =	sst s2;
	s0 =	sadd.s32 $0x400, s0;
	s22 =	sshll.u32 s9, $0xE  }
0x7: {  	_ =	strace $0x80000047;
	[dreg:$0x3] =	wrdreg s0;
	s0 =	sor.u32 s6, s22  }
0x8: {  	s23 =	sxor.u32 $0x100, s7;
	s7 =	sadd.s32 s1, s0;
	s0 =	sshll.u32 s8, $0xF  }
0x9: {  	[dreg:$0x4] =	wrdreg s23;
	s24 =	sxor.u32 $0xFC00, s0  }
0xa: {  	s25 =	sxor.u32 $0xF800, s0;
	[dreg:$0x5] =	wrdreg s24  }
0xb: {  	s26 =	sxor.u32 $0xF400, s0;
	[dreg:$0x6] =	wrdreg s25  }
0xc: {  	s29 =	sxor.u32 $0xF000, s0;
	[dreg:$0x7] =	wrdreg s26  }
0xd: {  	s30 =	sxor.u32 $0xEC00, s0;
	[dreg:$0x8] =	wrdreg s29  }
0xe: {  	s31 =	sxor.u32 $0xE800, s0;
	[dreg:$0x9] =	wrdreg s30  }
0xf: {  	s6 =	sxor.u32 $0xE400, s0;
	[dreg:$0xa] =	wrdreg s31  }
0x10: {  	s8 =	sxor.u32 $0xE000, s0;
	[dreg:$0xb] =	wrdreg s6  }
0x11: {  	s10 =	sxor.u32 $0xDC00, s0;
	[dreg:$0xc] =	wrdreg s8  }
0x12: {  	s11 =	sxor.u32 $0xD800, s0;
	[dreg:$0xd] =	wrdreg s10  }
0x13: {  	s12 =	sxor.u32 $0xD400, s0;
	[dreg:$0xe] =	wrdreg s11  }
0x14: {  	s13 =	sxor.u32 $0xD000, s0;
	[dreg:$0xf] =	wrdreg s12  }
0x15: {  	s14 =	sxor.u32 $0xCC00, s0;
	[dreg:$0x10] =	wrdreg s13  }
0x16: {  	s15 =	sxor.u32 $0xC800, s0;
	[dreg:$0x11] =	wrdreg s14  }
0x17: {  	s16 =	sxor.u32 $0xC400, s0;
	[dreg:$0x12] =	wrdreg s15  }
0x18: {  	s17 =	sxor.u32 $0xC000, s0;
	[dreg:$0x13] =	wrdreg s16  }
0x19: {  	s18 =	sxor.u32 $0xBC00, s0;
	[dreg:$0x14] =	wrdreg s17  }
0x1a: {  	s3 =	ssub.s32 $0x2, s3;
	s19 =	sxor.u32 $0xB800, s0;
	[dreg:$0x15] =	wrdreg s18  }
0x1b: {  	s21 =	sshrl.u32 s3, $0x1;
	s20 =	sxor.u32 $0xB400, s0;
	[dreg:$0x16] =	wrdreg s19  }
0x1c: {  	s3 =	ssub.s32 s3, s21;
	s21 =	sxor.u32 $0xB000, s0;
	[dreg:$0x17] =	wrdreg s20  }
0x1d: {  	s22 =	sxor.u32 $0xAC00, s0;
	[dreg:$0x18] =	wrdreg s21  }
0x1e: {  	s23 =	sxor.u32 $0xA800, s0;
	[dreg:$0x19] =	wrdreg s22  }
0x1f: {  	[dreg:$0x1a] =	wrdreg s23;
	s24 =	sxor.u32 $0xA400, s0  }
0x20: {  	s25 =	sxor.u32 $0xA000, s0;
	[dreg:$0x1b] =	wrdreg s24  }
0x21: {  	s26 =	sxor.u32 $0x9C00, s0;
	[dreg:$0x1c] =	wrdreg s25  }
0x22: {  	s29 =	sxor.u32 $0x9800, s0;
	[dreg:$0x1d] =	wrdreg s26  }
0x23: {  	s30 =	sxor.u32 $0x9400, s0;
	[dreg:$0x1e] =	wrdreg s29  }
0x24: {  	s31 =	sxor.u32 $0x9000, s0;
	[dreg:$0x1f] =	wrdreg s30  }
0x25: {  	s6 =	sxor.u32 $0x8C00, s0;
	[smem:$0x7EA] =	sst s31  }
0x26: {  	s8 =	sxor.u32 $0x8800, s0;
	[smem:$0x7EB] =	sst s6  }
0x27: {  	s10 =	sxor.u32 $0x8400, s0;
	[smem:$0x7EC] =	sst s8  }
0x28: {  	s11 =	smax.u32 s3, $0x1;
	[smem:$0x7ED] =	sst s10  }
0x29: {  	s28 =	simm.s32 $0x1;
	s13 =	sadd.s32 $0x20000, s7;
	[smem:$0x7EE] =	sst s11  }
0x2a: {  	s4 =	sor.u32 $0x178, s5;
	s16 =	sadd.s32 $0x40000, s7;
	[smem:$0x7EF] =	sst s13  }
0x2b: {  	s5 =	sshll.u32 s5, $0x7;
	s17 =	sadd.s32 $0x60000, s7;
	[smem:$0x7F0] =	sst s16  }
0x2c: {  	s1 =	sadd.s32 $0x220000, s7;
	s18 =	sadd.s32 $0x80000, s7;
	[smem:$0x7F1] =	sst s17  }
0x2d: {  	s12 =	sxor.u32 $0x8000, s0;
	s19 =	sadd.s32 $0xA0000, s7;
	[smem:$0x7F2] =	sst s18  }
0x2e: {  	s14 =	sxor.u32 $0x17F, s9;
	s20 =	sadd.s32 $0xC0000, s7;
	[smem:$0x7F3] =	sst s19  }
0x2f: {  	s15 =	sshll.u32 s4, $0x7;
	s21 =	sadd.s32 $0xE0000, s7;
	[smem:$0x7F4] =	sst s20  }
0x30: {  	s22 =	sadd.s32 $0x100000, s7;
	s23 =	sadd.s32 $0x120000, s7;
	[smem:$0x7F5] =	sst s21  }
0x31: {  	s0 =	sadd.s32 $0x200000, s7;
	s3 =	sadd.s32 $0x240000, s7;
	[smem:$0x7F6] =	sst s22  }
0x32: {  	s9 =	sadd.s32 $0x2A0000, s7;
	[smem:$0x7F7] =	sst s23;
	s24 =	sadd.s32 $0x140000, s7  }
0x33: {  	s25 =	sadd.s32 $0x160000, s7;
	s26 =	sadd.s32 $0x180000, s7;
	s29 =	sadd.s32 $0x1A0000, s7  }
0x34: {  	s30 =	sadd.s32 $0x1C0000, s7;
	s31 =	sadd.s32 $0x1E0000, s7;
	s6 =	sadd.s32 $0x260000, s7  }
0x35: {  	s8 =	sadd.s32 $0x280000, s7;
	s10 =	sadd.s32 $0x2C0000, s7;
	[smem:$0x7F8] =	sst s24  }
0x36: {  	s11 =	sadd.s32 $0x2E0000, s7;
	s13 =	sadd.s32 $0x300000, s7;
	[smem:$0x7F9] =	sst s25  }
0x37: {  	s16 =	sadd.s32 $0x320000, s7;
	s17 =	sadd.s32 $0x340000, s7;
	[smem:$0x7FA] =	sst s26  }
0x38: {  	s18 =	sadd.s32 $0x360000, s7;
	s19 =	sadd.s32 $0x380000, s7;
	[smem:$0x7FB] =	sst s29  }
0x39: {  	s20 =	sadd.s32 $0x3A0000, s7;
	s21 =	sadd.s32 $0x3C0000, s7;
	[smem:$0x7FC] =	sst s30  }
0x3a: {  	s22 =	sadd.s32 $0x3E0000, s7;
	s23 =	sadd.s32 $0x13C80, s5;
	[smem:$0x7FD] =	sst s31  }
0x3b: {  	v0 =	vmov s5;
	s24 =	simm.s32 $0x400;
	s25 =	simm.s32 $0x800;
	s26 =	simm.s32 $0x2  }
.LBB2_1:
0x3c: {  	s29 =	rddreg [dreg:$0x3];
	s30 =	simm.s32 $0xC000  }
0x3d: {  	[tilespmem:s30], [sflag:$0x2] =	stream.strided.gather [hbm4b:s29+s24], $0x8400, s25, s24, $0x38;
	[tilespmem:$0x1FC00] =	vst v63  }
0x3e: {  	_ =	swait.ge [sflag:s26], $0x8400  }
0x3f: {  	[sflag:s26] =	ssyncset.done $0x0  }
0x40: {  	s29 =	simm.s32 $0x0;
	[sflag:s26] =	ssyncadd.s32 $0xFFFF7C00  }
0x41: {  	v1 =	vld [tilespmem:s29+$0xC000];
	_ =	sdelay $0x4  }
0x42: {  	[tilespmem:v0+s29+$0xBC00 ss:$0x1] =	vst.idx.msk $0xffff, v1  }
0x43: {  	v1 =	vld [tilespmem:s29+$0xC010];
	_ =	sdelay $0x4  }
0x44: {  	[tilespmem:v0+s29+$0xBC10 ss:$0x1] =	vst.idx.msk $0xffff, v1  }
0x45: {  	v1 =	vld [tilespmem:s29+$0xC020];
	_ =	sdelay $0x4  }
0x46: {  	[tilespmem:v0+s29+$0xBC20 ss:$0x1] =	vst.idx.msk $0xffff, v1  }
0x47: {  	v1 =	vld [tilespmem:s29+$0xC030];
	_ =	sdelay $0x4  }
0x48: {  	[tilespmem:v0+s29+$0xBC30 ss:$0x1] =	vst.idx.msk $0xffff, v1  }
0x49: {  	v1 =	vld [tilespmem:s29+$0xC040];
	_ =	sdelay $0x4  }
0x4a: {  	[tilespmem:v0+s29+$0xBC40 ss:$0x1] =	vst.idx.msk $0xffff, v1  }
0x4b: {  	v1 =	vld [tilespmem:s29+$0xC050];
	_ =	sdelay $0x4  }
0x4c: {  	[tilespmem:v0+s29+$0xBC50 ss:$0x1] =	vst.idx.msk $0xffff, v1  }
0x4d: {  	v1 =	vld [tilespmem:s29+$0xC060];
	_ =	sdelay $0x4  }
0x4e: {  	[tilespmem:v0+s29+$0xBC60 ss:$0x1] =	vst.idx.msk $0xffff, v1  }
0x4f: {  	s31 =	simm.s32 $0x400;
	s30 =	simm.s32 $0x200;
	v1 =	vld [tilespmem:s29+$0xC070]  }
.LBB2_2:
0x50: {  	_ =	sdelay $0x2  }
0x51: {  	p0 =	sne.s32 s31, $0x20000  }
0x52: {  	[tilespmem:v0+s29+$0xBC70 ss:$0x1] =	vst.idx.msk $0xffff, v1;
	s29 =	sshra.s32 s30, $0x2;
	s30 =	smov.u32 s31;
	s31 =	sadd.s32 $0x200, s31  }
0x53: {  	v1 =	vld [tilespmem:s29+$0xC000];
	_ =	sdelay $0x4  }
0x54: {  	[tilespmem:v0+s29+$0xBC00 ss:$0x1] =	vst.idx.msk $0xffff, v1  }
0x55: {  	v1 =	vld [tilespmem:s29+$0xC010];
	_ =	sdelay $0x4  }
0x56: {  	[tilespmem:v0+s29+$0xBC10 ss:$0x1] =	vst.idx.msk $0xffff, v1  }
0x57: {  	v1 =	vld [tilespmem:s29+$0xC020];
	_ =	sdelay $0x4  }
0x58: {  	[tilespmem:v0+s29+$0xBC20 ss:$0x1] =	vst.idx.msk $0xffff, v1  }
0x59: {  	v1 =	vld [tilespmem:s29+$0xC030];
	_ =	sdelay $0x4  }
0x5a: {  	[tilespmem:v0+s29+$0xBC30 ss:$0x1] =	vst.idx.msk $0xffff, v1  }
0x5b: {  	v1 =	vld [tilespmem:s29+$0xC040];
	_ =	sdelay $0x4  }
0x5c: {  	[tilespmem:v0+s29+$0xBC40 ss:$0x1] =	vst.idx.msk $0xffff, v1  }
0x5d: {  	v1 =	vld [tilespmem:s29+$0xC050];
	_ =	sdelay $0x4  }
0x5e: {  	[tilespmem:v0+s29+$0xBC50 ss:$0x1] =	vst.idx.msk $0xffff, v1  }
0x5f: {  	v1 =	vld [tilespmem:s29+$0xC060];
	_ =	sdelay $0x1  }
.Ltmp0:
0x60: {  	(pc) =	sbr.rel @p0 .LBB2_2-.Ltmp0, $3  }
0x61: {  	_ =	sdelay $0x1  }
0x62: {  	[tilespmem:v0+s29+$0xBC60 ss:$0x1] =	vst.idx.msk $0xffff, v1  }
0x63: {  	v1 =	vld [tilespmem:s29+$0xC070]  }
0x64: {  	_ =	sdelay $0x3  }
0x65: {  	s30 =	sshra.s32 s30, $0x2;
	[tilespmem:v0+s29+$0xBC70 ss:$0x1] =	vst.idx.msk $0xffff, v1  }
0x66: {  	v1 =	vld [tilespmem:s30+$0xC000];
	_ =	sdelay $0x4  }
0x67: {  	[tilespmem:v0+s30+$0xBC00 ss:$0x1] =	vst.idx.msk $0xffff, v1  }
0x68: {  	v1 =	vld [tilespmem:s30+$0xC010];
	_ =	sdelay $0x4  }
0x69: {  	[tilespmem:v0+s30+$0xBC10 ss:$0x1] =	vst.idx.msk $0xffff, v1  }
0x6a: {  	v1 =	vld [tilespmem:s30+$0xC020];
	_ =	sdelay $0x4  }
0x6b: {  	[tilespmem:v0+s30+$0xBC20 ss:$0x1] =	vst.idx.msk $0xffff, v1  }
0x6c: {  	v1 =	vld [tilespmem:s30+$0xC030];
	_ =	sdelay $0x4  }
0x6d: {  	[tilespmem:v0+s30+$0xBC30 ss:$0x1] =	vst.idx.msk $0xffff, v1  }
0x6e: {  	v1 =	vld [tilespmem:s30+$0xC040];
	_ =	sdelay $0x4  }
0x6f: {  	[tilespmem:v0+s30+$0xBC40 ss:$0x1] =	vst.idx.msk $0xffff, v1  }
0x70: {  	v1 =	vld [tilespmem:s30+$0xC050];
	_ =	sdelay $0x4  }
0x71: {  	[tilespmem:v0+s30+$0xBC50 ss:$0x1] =	vst.idx.msk $0xffff, v1  }
0x72: {  	v1 =	vld [tilespmem:s30+$0xC060];
	_ =	sdelay $0x4  }
0x73: {  	[tilespmem:v0+s30+$0xBC60 ss:$0x1] =	vst.idx.msk $0xffff, v1  }
0x74: {  	v1 =	vld [tilespmem:s30+$0xC070];
	_ =	sdelay $0x4  }
0x75: {  	[tilespmem:v0+s30+$0xBC70 ss:$0x1] =	vst.idx.msk $0xffff, v1  }
0x76: {  	v10 =	vld [tilespmem:s15+$0x0]  }
0x77: {  	v9 =	vld [tilespmem:s15+$0x10]  }
0x78: {  	v11 =	vld [tilespmem:s15+$0x20]  }
0x79: {  	v12 =	vld [tilespmem:s15+$0x30]  }
0x7a: {  	v13 =	vld [tilespmem:s15+$0x40]  }
0x7b: {  	v14 =	vld [tilespmem:s15+$0x50]  }
0x7c: {  	v15 =	vld [tilespmem:s15+$0x60]  }
0x7d: {  	v16 =	vld [tilespmem:s15+$0x70]  }
0x7e: {  	v2 =	vld [tilespmem:s5+$0x13C00]  }
0x7f: {  	v1 =	vld [tilespmem:s5+$0x13C10]  }
0x80: {  	v3 =	vld [tilespmem:s5+$0x13C20]  }
0x81: {  	v4 =	vld [tilespmem:s5+$0x13C30]  }
0x82: {  	v5 =	vld [tilespmem:s5+$0x13C40]  }
0x83: {  	v6 =	vld [tilespmem:s5+$0x13C50]  }
0x84: {  	s29 =	rddreg [dreg:$0x4];
	v7 =	vld [tilespmem:s5+$0x13C60]  }
0x85: {  	s29 =	sadd.s32 $0x1, s29;
	v8 =	vld [tilespmem:s5+$0x13C70];
	[tilespmem:s12+$0x0] =	vst v10  }
0x86: {  	p0 =	slt.u32 s29, s4;
	[tilespmem:s12+$0x70] =	vst v16  }
.Ltmp1:
0x87: {  	[tilespmem:s12+$0x60] =	vst v15;
	(pc) =	sbr.rel @!p0 .LBB2_5-.Ltmp1, $4  }
0x88: {  	[tilespmem:s12+$0x50] =	vst v14  }
0x89: {  	[tilespmem:s12+$0x40] =	vst v13  }
0x8a: {  	[tilespmem:s12+$0x30] =	vst v12  }
0x8b: {  	s30 =	smov.u32 s12;
	[tilespmem:s12+$0x20] =	vst v11  }
.LBB2_4:
0x8c: {  	s29 =	sadd.s32 $0x1, s29;
	[tilespmem:s30+$0x10] =	vst v9;
	s30 =	sadd.s32 $0x80, s30  }
0x8d: {  	[tilespmem:s30+$0x0] =	vst v10;
	p0 =	slt.u32 s29, s4  }
0x8e: {  	[tilespmem:s30+$0x70] =	vst v16  }
.Ltmp2:
0x8f: {  	[tilespmem:s30+$0x60] =	vst v15;
	(pc) =	sbr.rel @p0 .LBB2_4-.Ltmp2, $4  }
0x90: {  	[tilespmem:s30+$0x50] =	vst v14  }
0x91: {  	[tilespmem:s30+$0x40] =	vst v13  }
0x92: {  	[tilespmem:s30+$0x30] =	vst v12  }
0x93: {  	[tilespmem:s30+$0x20] =	vst v11  }
.LBB2_5:
0x94: {  	[tilespmem:s30+$0x10] =	vst v9  }
0x95: {  	[tilespmem:s23+$0x0] =	vst v2  }
0x96: {  	p0 =	sne.s32 s14, $0x1;
	[tilespmem:s23+$0x70] =	vst v8  }
.Ltmp3:
0x97: {  	[tilespmem:s23+$0x60] =	vst v7;
	(pc) =	sbr.rel @!p0 .LBB2_7-.Ltmp3, $4  }
0x98: {  	[tilespmem:s23+$0x50] =	vst v6  }
0x99: {  	[tilespmem:s23+$0x40] =	vst v5  }
0x9a: {  	[tilespmem:s23+$0x30] =	vst v4  }
0x9b: {  	s29 =	sadd.s32 $0xFFFFFFFF, s14;
	s30 =	smov.u32 s23;
	[tilespmem:s23+$0x20] =	vst v3  }
.LBB2_6:
0x9c: {  	p0 =	sne.s32 s29, $0x1;
	s29 =	sadd.s32 $0xFFFFFFFF, s29;
	[tilespmem:s30+$0x10] =	vst v1;
	s30 =	sadd.s32 $0x80, s30  }
0x9d: {  	[tilespmem:s30+$0x0] =	vst v2  }
0x9e: {  	[tilespmem:s30+$0x70] =	vst v8  }
.Ltmp4:
0x9f: {  	[tilespmem:s30+$0x60] =	vst v7;
	(pc) =	sbr.rel @p0 .LBB2_6-.Ltmp4, $4  }
0xa0: {  	[tilespmem:s30+$0x50] =	vst v6  }
0xa1: {  	[tilespmem:s30+$0x40] =	vst v5  }
0xa2: {  	[tilespmem:s30+$0x30] =	vst v4  }
0xa3: {  	[tilespmem:s30+$0x20] =	vst v3  }
.LBB2_7:
0xa4: {  	s29 =	rddreg [dreg:$0x5]  }
0xa5: {  	[tilespmem:s30+$0x10] =	vst v1;
	s31 =	sld [smem:$0x7EF]  }
0xa6: {  	[hbm4b:s7+s24] =	stream.strided.scatter [tilespmem:s29], [sflag:$0x1], $0x10000, s25, s24, $0x38;
	[tilespmem:$0x1FC00] =	vst v63  }
0xa7: {  	s29 =	rddreg [dreg:$0x6]  }
0xa8: {  	[hbm4b:s31+s24] =	stream.strided.scatter [tilespmem:s29], [sflag:$0x1], $0x10000, s25, s24, $0x38;
	[tilespmem:$0x1FC00] =	vst v63  }
0xa9: {  	s31 =	sld [smem:$0x7F0];
	_ =	sdelay $0x1  }
0xaa: {  	s29 =	rddreg [dreg:$0x7]  }
0xab: {  	[hbm4b:s31+s24] =	stream.strided.scatter [tilespmem:s29], [sflag:$0x1], $0x10000, s25, s24, $0x38;
	[tilespmem:$0x1FC00] =	vst v63  }
0xac: {  	s31 =	sld [smem:$0x7F1];
	_ =	sdelay $0x1  }
0xad: {  	s29 =	rddreg [dreg:$0x8]  }
0xae: {  	[hbm4b:s31+s24] =	stream.strided.scatter [tilespmem:s29], [sflag:$0x1], $0x10000, s25, s24, $0x38;
	[tilespmem:$0x1FC00] =	vst v63  }
0xaf: {  	s31 =	sld [smem:$0x7F2];
	_ =	sdelay $0x1  }
0xb0: {  	s29 =	rddreg [dreg:$0x9]  }
0xb1: {  	[hbm4b:s31+s24] =	stream.strided.scatter [tilespmem:s29], [sflag:$0x1], $0x10000, s25, s24, $0x38;
	[tilespmem:$0x1FC00] =	vst v63  }
0xb2: {  	s31 =	sld [smem:$0x7F3];
	_ =	sdelay $0x1  }
0xb3: {  	s29 =	rddreg [dreg:$0xa]  }
0xb4: {  	[hbm4b:s31+s24] =	stream.strided.scatter [tilespmem:s29], [sflag:$0x1], $0x10000, s25, s24, $0x38;
	[tilespmem:$0x1FC00] =	vst v63  }
0xb5: {  	s31 =	sld [smem:$0x7F4];
	_ =	sdelay $0x1  }
0xb6: {  	s29 =	rddreg [dreg:$0xb]  }
0xb7: {  	[hbm4b:s31+s24] =	stream.strided.scatter [tilespmem:s29], [sflag:$0x1], $0x10000, s25, s24, $0x38;
	[tilespmem:$0x1FC00] =	vst v63  }
0xb8: {  	s31 =	sld [smem:$0x7F5];
	_ =	sdelay $0x1  }
0xb9: {  	s29 =	rddreg [dreg:$0xc]  }
0xba: {  	[hbm4b:s31+s24] =	stream.strided.scatter [tilespmem:s29], [sflag:$0x1], $0x10000, s25, s24, $0x38;
	[tilespmem:$0x1FC00] =	vst v63  }
0xbb: {  	s31 =	sld [smem:$0x7F6];
	_ =	sdelay $0x1  }
0xbc: {  	s29 =	rddreg [dreg:$0xd]  }
0xbd: {  	[hbm4b:s31+s24] =	stream.strided.scatter [tilespmem:s29], [sflag:$0x1], $0x10000, s25, s24, $0x38;
	[tilespmem:$0x1FC00] =	vst v63  }
0xbe: {  	s31 =	sld [smem:$0x7F7];
	_ =	sdelay $0x1  }
0xbf: {  	s29 =	rddreg [dreg:$0xe]  }
0xc0: {  	[hbm4b:s31+s24] =	stream.strided.scatter [tilespmem:s29], [sflag:$0x1], $0x10000, s25, s24, $0x38;
	[tilespmem:$0x1FC00] =	vst v63  }
0xc1: {  	s31 =	sld [smem:$0x7F8];
	_ =	sdelay $0x1  }
0xc2: {  	s29 =	rddreg [dreg:$0xf]  }
0xc3: {  	[hbm4b:s31+s24] =	stream.strided.scatter [tilespmem:s29], [sflag:$0x1], $0x10000, s25, s24, $0x38;
	[tilespmem:$0x1FC00] =	vst v63  }
0xc4: {  	s31 =	sld [smem:$0x7F9];
	_ =	sdelay $0x1  }
0xc5: {  	s29 =	rddreg [dreg:$0x10]  }
0xc6: {  	[hbm4b:s31+s24] =	stream.strided.scatter [tilespmem:s29], [sflag:$0x1], $0x10000, s25, s24, $0x38;
	[tilespmem:$0x1FC00] =	vst v63  }
0xc7: {  	s31 =	sld [smem:$0x7FA];
	_ =	sdelay $0x1  }
0xc8: {  	s29 =	rddreg [dreg:$0x11]  }
0xc9: {  	[hbm4b:s31+s24] =	stream.strided.scatter [tilespmem:s29], [sflag:$0x1], $0x10000, s25, s24, $0x38;
	[tilespmem:$0x1FC00] =	vst v63  }
0xca: {  	s31 =	sld [smem:$0x7FB];
	_ =	sdelay $0x1  }
0xcb: {  	s29 =	rddreg [dreg:$0x12]  }
0xcc: {  	[hbm4b:s31+s24] =	stream.strided.scatter [tilespmem:s29], [sflag:$0x1], $0x10000, s25, s24, $0x38;
	[tilespmem:$0x1FC00] =	vst v63  }
0xcd: {  	s31 =	sld [smem:$0x7FC];
	_ =	sdelay $0x1  }
0xce: {  	s29 =	rddreg [dreg:$0x13]  }
0xcf: {  	[hbm4b:s31+s24] =	stream.strided.scatter [tilespmem:s29], [sflag:$0x1], $0x10000, s25, s24, $0x38;
	[tilespmem:$0x1FC00] =	vst v63  }
0xd0: {  	s31 =	sld [smem:$0x7FD]  }
0xd1: {  	s30 =	rddreg [dreg:$0x15]  }
0xd2: {  	s29 =	rddreg [dreg:$0x14]  }
0xd3: {  	[hbm4b:s31+s24] =	stream.strided.scatter [tilespmem:s29], [sflag:$0x1], $0x10000, s25, s24, $0x38;
	[tilespmem:$0x1FC00] =	vst v63  }
0xd4: {  	s31 =	rddreg [dreg:$0x16]  }
0xd5: {  	[hbm4b:s0+s24] =	stream.strided.scatter [tilespmem:s30], [sflag:$0x1], $0x10000, s25, s24, $0x38;
	[tilespmem:$0x1FC00] =	vst v63  }
0xd6: {  	s30 =	rddreg [dreg:$0x17]  }
0xd7: {  	[hbm4b:s1+s24] =	stream.strided.scatter [tilespmem:s31], [sflag:$0x1], $0x10000, s25, s24, $0x38;
	[tilespmem:$0x1FC00] =	vst v63  }
0xd8: {  	s31 =	rddreg [dreg:$0x18]  }
0xd9: {  	[hbm4b:s3+s24] =	stream.strided.scatter [tilespmem:s30], [sflag:$0x1], $0x10000, s25, s24, $0x38;
	[tilespmem:$0x1FC00] =	vst v63  }
0xda: {  	s30 =	rddreg [dreg:$0x19]  }
0xdb: {  	[hbm4b:s6+s24] =	stream.strided.scatter [tilespmem:s31], [sflag:$0x1], $0x10000, s25, s24, $0x38;
	[tilespmem:$0x1FC00] =	vst v63  }
0xdc: {  	s31 =	rddreg [dreg:$0x1a]  }
0xdd: {  	[hbm4b:s8+s24] =	stream.strided.scatter [tilespmem:s30], [sflag:$0x1], $0x10000, s25, s24, $0x38;
	[tilespmem:$0x1FC00] =	vst v63  }
0xde: {  	s30 =	rddreg [dreg:$0x1b]  }
0xdf: {  	[hbm4b:s9+s24] =	stream.strided.scatter [tilespmem:s31], [sflag:$0x1], $0x10000, s25, s24, $0x38;
	[tilespmem:$0x1FC00] =	vst v63  }
0xe0: {  	s31 =	rddreg [dreg:$0x1c]  }
0xe1: {  	[hbm4b:s10+s24] =	stream.strided.scatter [tilespmem:s30], [sflag:$0x1], $0x10000, s25, s24, $0x38;
	[tilespmem:$0x1FC00] =	vst v63  }
0xe2: {  	s30 =	rddreg [dreg:$0x1d]  }
0xe3: {  	[hbm4b:s11+s24] =	stream.strided.scatter [tilespmem:s31], [sflag:$0x1], $0x10000, s25, s24, $0x38;
	[tilespmem:$0x1FC00] =	vst v63  }
0xe4: {  	s31 =	rddreg [dreg:$0x1e]  }
0xe5: {  	[hbm4b:s13+s24] =	stream.strided.scatter [tilespmem:s30], [sflag:$0x1], $0x10000, s25, s24, $0x38;
	[tilespmem:$0x1FC00] =	vst v63  }
0xe6: {  	s30 =	rddreg [dreg:$0x1f]  }
0xe7: {  	[hbm4b:s16+s24] =	stream.strided.scatter [tilespmem:s31], [sflag:$0x1], $0x10000, s25, s24, $0x38;
	[tilespmem:$0x1FC00] =	vst v63  }
0xe8: {  	s31 =	sld [smem:$0x7EA]  }
0xe9: {  	[hbm4b:s17+s24] =	stream.strided.scatter [tilespmem:s30], [sflag:$0x1], $0x10000, s25, s24, $0x38;
	[tilespmem:$0x1FC00] =	vst v63  }
0xea: {  	s30 =	sld [smem:$0x7EB]  }
0xeb: {  	[hbm4b:s18+s24] =	stream.strided.scatter [tilespmem:s31], [sflag:$0x1], $0x10000, s25, s24, $0x38;
	[tilespmem:$0x1FC00] =	vst v63  }
0xec: {  	s31 =	sld [smem:$0x7EC]  }
0xed: {  	[hbm4b:s19+s24] =	stream.strided.scatter [tilespmem:s30], [sflag:$0x1], $0x10000, s25, s24, $0x38;
	[tilespmem:$0x1FC00] =	vst v63  }
0xee: {  	s30 =	sld [smem:$0x7ED]  }
0xef: {  	[hbm4b:s20+s24] =	stream.strided.scatter [tilespmem:s31], [sflag:$0x1], $0x10000, s25, s24, $0x38;
	[tilespmem:$0x1FC00] =	vst v63  }
0xf0: {  	_ = 	snop  }
0xf1: {  	[hbm4b:s21+s24] =	stream.strided.scatter [tilespmem:s30], [sflag:$0x1], $0x10000, s25, s24, $0x38;
	[tilespmem:$0x1FC00] =	vst v63  }
0xf2: {  	_ = 	snop  }
0xf3: {  	[hbm4b:s22+s24] =	stream.strided.scatter [tilespmem:s12], [sflag:$0x1], $0x10000, s25, s24, $0x38;
	[tilespmem:$0x1FC00] =	vst v63  }
0xf4: {  	_ =	swait.ge [sflag:s28], $0x10000  }
0xf5: {  	[sflag:s28] =	ssyncset.done $0x0  }
0xf6: {  	[sflag:s28] =	ssyncadd.s32 $0xFFFF0000  }
0xf7: {  	_ =	swait.ge [sflag:s28], $0x10000  }
0xf8: {  	[sflag:s28] =	ssyncset.done $0x0  }
0xf9: {  	[sflag:s28] =	ssyncadd.s32 $0xFFFF0000  }
0xfa: {  	_ =	swait.ge [sflag:s28], $0x10000  }
0xfb: {  	[sflag:s28] =	ssyncset.done $0x0  }
0xfc: {  	[sflag:s28] =	ssyncadd.s32 $0xFFFF0000  }
0xfd: {  	_ =	swait.ge [sflag:s28], $0x10000  }
0xfe: {  	[sflag:s28] =	ssyncset.done $0x0  }
0xff: {  	[sflag:s28] =	ssyncadd.s32 $0xFFFF0000  }
0x100: {  	_ =	swait.ge [sflag:s28], $0x10000  }
0x101: {  	[sflag:s28] =	ssyncset.done $0x0  }
0x102: {  	[sflag:s28] =	ssyncadd.s32 $0xFFFF0000  }
0x103: {  	_ =	swait.ge [sflag:s28], $0x10000  }
0x104: {  	[sflag:s28] =	ssyncset.done $0x0  }
0x105: {  	[sflag:s28] =	ssyncadd.s32 $0xFFFF0000  }
0x106: {  	_ =	swait.ge [sflag:s28], $0x10000  }
0x107: {  	[sflag:s28] =	ssyncset.done $0x0  }
0x108: {  	[sflag:s28] =	ssyncadd.s32 $0xFFFF0000  }
0x109: {  	_ =	swait.ge [sflag:s28], $0x10000  }
0x10a: {  	[sflag:s28] =	ssyncset.done $0x0  }
0x10b: {  	[sflag:s28] =	ssyncadd.s32 $0xFFFF0000  }
0x10c: {  	_ =	swait.ge [sflag:s28], $0x10000  }
0x10d: {  	[sflag:s28] =	ssyncset.done $0x0  }
0x10e: {  	[sflag:s28] =	ssyncadd.s32 $0xFFFF0000  }
0x10f: {  	_ =	swait.ge [sflag:s28], $0x10000  }
0x110: {  	[sflag:s28] =	ssyncset.done $0x0  }
0x111: {  	[sflag:s28] =	ssyncadd.s32 $0xFFFF0000  }
0x112: {  	_ =	swait.ge [sflag:s28], $0x10000  }
0x113: {  	[sflag:s28] =	ssyncset.done $0x0  }
0x114: {  	[sflag:s28] =	ssyncadd.s32 $0xFFFF0000  }
0x115: {  	_ =	swait.ge [sflag:s28], $0x10000  }
0x116: {  	[sflag:s28] =	ssyncset.done $0x0  }
0x117: {  	[sflag:s28] =	ssyncadd.s32 $0xFFFF0000  }
0x118: {  	_ =	swait.ge [sflag:s28], $0x10000  }
0x119: {  	[sflag:s28] =	ssyncset.done $0x0  }
0x11a: {  	[sflag:s28] =	ssyncadd.s32 $0xFFFF0000  }
0x11b: {  	_ =	swait.ge [sflag:s28], $0x10000  }
0x11c: {  	[sflag:s28] =	ssyncset.done $0x0  }
0x11d: {  	[sflag:s28] =	ssyncadd.s32 $0xFFFF0000  }
0x11e: {  	_ =	swait.ge [sflag:s28], $0x10000  }
0x11f: {  	[sflag:s28] =	ssyncset.done $0x0  }
0x120: {  	[sflag:s28] =	ssyncadd.s32 $0xFFFF0000  }
0x121: {  	_ =	swait.ge [sflag:s28], $0x10000  }
0x122: {  	[sflag:s28] =	ssyncset.done $0x0  }
0x123: {  	[sflag:s28] =	ssyncadd.s32 $0xFFFF0000  }
0x124: {  	_ =	swait.ge [sflag:s28], $0x10000  }
0x125: {  	[sflag:s28] =	ssyncset.done $0x0  }
0x126: {  	[sflag:s28] =	ssyncadd.s32 $0xFFFF0000  }
0x127: {  	_ =	swait.ge [sflag:s28], $0x10000  }
0x128: {  	[sflag:s28] =	ssyncset.done $0x0  }
0x129: {  	[sflag:s28] =	ssyncadd.s32 $0xFFFF0000  }
0x12a: {  	_ =	swait.ge [sflag:s28], $0x10000  }
0x12b: {  	[sflag:s28] =	ssyncset.done $0x0  }
0x12c: {  	[sflag:s28] =	ssyncadd.s32 $0xFFFF0000  }
0x12d: {  	_ =	swait.ge [sflag:s28], $0x10000  }
0x12e: {  	[sflag:s28] =	ssyncset.done $0x0  }
0x12f: {  	[sflag:s28] =	ssyncadd.s32 $0xFFFF0000  }
0x130: {  	_ =	swait.ge [sflag:s28], $0x10000  }
0x131: {  	[sflag:s28] =	ssyncset.done $0x0  }
0x132: {  	[sflag:s28] =	ssyncadd.s32 $0xFFFF0000  }
0x133: {  	_ =	swait.ge [sflag:s28], $0x10000  }
0x134: {  	[sflag:s28] =	ssyncset.done $0x0  }
0x135: {  	[sflag:s28] =	ssyncadd.s32 $0xFFFF0000  }
0x136: {  	_ =	swait.ge [sflag:s28], $0x10000  }
0x137: {  	[sflag:s28] =	ssyncset.done $0x0  }
0x138: {  	[sflag:s28] =	ssyncadd.s32 $0xFFFF0000  }
0x139: {  	_ =	swait.ge [sflag:s28], $0x10000  }
0x13a: {  	[sflag:s28] =	ssyncset.done $0x0  }
0x13b: {  	[sflag:s28] =	ssyncadd.s32 $0xFFFF0000  }
0x13c: {  	_ =	swait.ge [sflag:s28], $0x10000  }
0x13d: {  	[sflag:s28] =	ssyncset.done $0x0  }
0x13e: {  	[sflag:s28] =	ssyncadd.s32 $0xFFFF0000  }
0x13f: {  	_ =	swait.ge [sflag:s28], $0x10000  }
0x140: {  	[sflag:s28] =	ssyncset.done $0x0  }
0x141: {  	[sflag:s28] =	ssyncadd.s32 $0xFFFF0000  }
0x142: {  	_ =	swait.ge [sflag:s28], $0x10000  }
0x143: {  	[sflag:s28] =	ssyncset.done $0x0  }
0x144: {  	[sflag:s28] =	ssyncadd.s32 $0xFFFF0000  }
0x145: {  	_ =	swait.ge [sflag:s28], $0x10000  }
0x146: {  	[sflag:s28] =	ssyncset.done $0x0  }
0x147: {  	[sflag:s28] =	ssyncadd.s32 $0xFFFF0000  }
0x148: {  	_ =	swait.ge [sflag:s28], $0x10000  }
0x149: {  	[sflag:s28] =	ssyncset.done $0x0  }
0x14a: {  	[sflag:s28] =	ssyncadd.s32 $0xFFFF0000  }
0x14b: {  	_ =	swait.ge [sflag:s28], $0x10000  }
0x14c: {  	[sflag:s28] =	ssyncset.done $0x0  }
0x14d: {  	[sflag:s28] =	ssyncadd.s32 $0xFFFF0000  }
0x14e: {  	_ =	swait.ge [sflag:s28], $0x10000  }
0x14f: {  	[sflag:s28] =	ssyncset.done $0x0  }
0x150: {  	[sflag:s28] =	ssyncadd.s32 $0xFFFF0000  }
0x151: {  	_ =	swait.ge [sflag:s28], $0x10000  }
0x152: {  	s31 =	sld [smem:$0x7EE];
	_ =	sdelay $0x1  }
0x153: {  	s2 =	sadd.s32 $0x1, s2  }
0x154: {  	p0 =	sne.s32 s2, s31  }
.Ltmp5:
0x155: {  	_ = 	snop;
	(pc) =	sbr.rel @p0 .LBB2_1-.Ltmp5, $3  }
0x156: {  	_ =	sdelay $0x1  }
0x157: {  	[sflag:s28] =	ssyncset.done $0x0  }
0x158: {  	[sflag:s28] =	ssyncadd.s32 $0xFFFF0000  }
0x159: {  	_ =	sfence.sel $0x180000  }
0x15a: {  	[bflag:$0x0] =	sbarrier.arrive $0xFFFF  }
0x15b: {  	_ =	strace $0x90000047  }
0x15c: {  	s0 =	stileid.u32;
	[bflag:$0x2] =	sbarrier.arrive $0xFFFF  }
0x15d: {  	p0 =	sne.s32 s0, $0x0;
	s0 =	rddreg [dreg:$0x2]  }
0x15e: {  	s0 =	sadd.s32 @!p0 $0x100000, s0  }
0x15f: {  	[sflag:s0] =	ssyncadd.tile.s32 @!p0 $0x1;
	_ =	shalt  }
.Lfunc_end2:
_tile_overlayer_lowered:
.L_overlay_start_2:
0x160: {  	(tag) =	ssettag $0x2  }
0x161: {  	s0 =	rddreg [dreg:$0x0];
	s2 =	stileid.u32  }
0x162: {  	s1 =	rddreg [dreg:$0x1];
	p0 =	sne.s32 s2, $0x0  }
0x163: {  	s3 =	rddreg [dreg:$0x2];
	[bflag:$0x3] =	sbarrier.arrive $0xFFFF;
	s2 =	simm.s32 @!p0 $0x1C02  }
0x164: {  	[timem:s3], [sflag:s2] =	dma.local @!p0 [hbm:s0], s1  }
0x165: {  	s0 =	simm.s32 @!p0 $0x2  }
0x166: {  	_ =	swait.ge @!p0 [sflag:s0], s1  }
0x167: {  	s1 =	ssub.s32 @!p0 $0x0, s1;
	[sflag:s0] =	ssyncset.done @!p0 $0x0  }
0x168: {  	[sflag:s0] =	ssyncadd.s32 @!p0 s1  }
0x169: {  	[bflag:$0x3] =	sbarrier.arrive $0xFFFF  }
0x16a: {  	_ =	shalt  }

</sc_bundles>
